<compile_context>
chip_gen: v7x
topology: tpu7x:2x2x1
jax: 0.10.2.dev20260603
libtpu: 0.0.44.dev20260713+nightly
codegen_flags: <defaults>
</compile_context>

<pallas_src>
import dataclasses
import functools

import jax
import jax.numpy as jnp
from jax import lax
from jax.experimental import pallas as pl
from jax.experimental.pallas import tpu as pltpu
from jax.experimental.pallas import tpu_sc as plsc

N = 10000
NPAD = 10240
E = 320000
D_IN = 128
D_HID = 128
D_OUT = 64
LCS = 0.1

NW = 32
EPW = E // NW
CHUNK = 64
UROW = 128
NROW = 80
NUNIT = 160
EPP = NROW * UROW
WCH = 128
RPS = NPAD // 16

_MESH = dict(core_axis_name="c", subcore_axis_name="s")

_SC_CP = pltpu.CompilerParams()
if "needs_layout_passes" in pltpu.CompilerParams.__dataclass_fields__:
    _SC_CP = dataclasses.replace(_SC_CP, needs_layout_passes=False)


@functools.partial(
    pl.kernel,
    out_type=jax.ShapeDtypeStruct((NW, NPAD), jnp.float32),
    mesh=plsc.VectorSubcoreMesh(**_MESH),
    compiler_params=_SC_CP,
    scratch_types=[
        pltpu.VMEM((EPW,), jnp.int32),
        pltpu.VMEM((NPAD,), jnp.float32),
    ],
)
def _sc_hist(dst_hbm, out_hbm, dst_v, hist_v):
    wid = lax.axis_index("s") * 2 + lax.axis_index("c")
    pltpu.sync_copy(dst_hbm.at[wid], dst_v)

    zeros16 = jnp.zeros((16,), jnp.float32)

    @pl.loop(0, NPAD // 16)
    def _(i):
        hist_v[pl.ds(i * 16, 16)] = zeros16

    ones16 = jnp.ones((16,), jnp.float32)

    @pl.loop(0, EPW // 16)
    def _(j):
        idx = dst_v[pl.ds(j * 16, 16)]
        plsc.addupdate_scatter(hist_v, [idx], ones16)

    pltpu.sync_copy(hist_v, out_hbm.at[wid])


def _make_segsum(d):
    @functools.partial(
        pl.kernel,
        out_type=jax.ShapeDtypeStruct((2, NPAD, d), jnp.float32),
        mesh=plsc.VectorSubcoreMesh(**_MESH),
        scratch_types=[
            pltpu.VMEM((2, NROW, UROW), jnp.int32),
            pltpu.VMEM((2 * CHUNK, d), jnp.float32),
            pltpu.VMEM_SHARED((NPAD, d), jnp.float32),
            pltpu.SemaphoreType.DMA,
        ],
    )
    def _sc_segsum(y_hbm, edges_hbm, out_hbm, idx_v, buf_v, acc_s, sem):
        core = lax.axis_index("c")
        sid = lax.axis_index("s")
        wid = sid * 2 + core
        base = sid * RPS

        pltpu.sync_copy(edges_hbm.at[wid], idx_v)

        zeros16 = jnp.zeros((16,), jnp.float32)

        @pl.loop(0, WCH)
        def _(r):
            @pl.loop(0, d // 16)
            def _(c):
                buf_v[r, pl.ds(c * 16, 16)] = zeros16

        @pl.loop(0, RPS // WCH)
        def _(k):
            pltpu.sync_copy(buf_v, acc_s.at[pl.ds(base + k * WCH, WCH)])

        plsc.subcore_barrier()

        @pl.loop(0, NUNIT)
        def _(j):
            row = lax.div(j, 2)
            s = lax.rem(j, 2) * CHUNK
            p = CHUNK - s
            src_sl = idx_v.at[0, row, pl.ds(s, CHUNK)]
            dst_sl = idx_v.at[1, row, pl.ds(s, CHUNK)]
            pltpu.async_copy(y_hbm.at[src_sl], buf_v.at[pl.ds(s, CHUNK)],
                             sem)
            pltpu.sync_copy(buf_v.at[pl.ds(p, CHUNK)],
                            acc_s.at[dst_sl], add=True)
            pltpu.make_async_copy(y_hbm.at[src_sl],
                                  buf_v.at[pl.ds(s, CHUNK)], sem).wait()

        plsc.subcore_barrier()

        @pl.loop(0, RPS // WCH)
        def _(k):
            sl = pl.ds(base + k * WCH, WCH)
            pltpu.sync_copy(acc_s.at[sl], buf_v)
            pltpu.sync_copy(buf_v, out_hbm.at[core, sl])

    return _sc_segsum


_sc_segsum_hid = _make_segsum(D_HID)


BLK = 2048
NBLK = NPAD // BLK

_row_spec = pl.BlockSpec((BLK, D_HID), lambda i: (i, 0))
_col_spec = pl.BlockSpec((BLK, 1), lambda i: (i, 0))
_vec128_spec = pl.BlockSpec((D_HID,), lambda i: (0,))


def _tc_mm_body(x_ref, w0_ref, xw_ref):
    xw_ref[...] = jnp.dot(x_ref[...], w0_ref[...],
                          preferred_element_type=jnp.float32,
                          precision=lax.Precision.HIGHEST)


def _tc_mm(x_pad, w0):
    return pl.pallas_call(
        _tc_mm_body,
        grid=(NBLK,),
        in_specs=[_row_spec, pl.BlockSpec((D_IN, D_HID), lambda i: (0, 0))],
        out_specs=_row_spec,
        out_shape=jax.ShapeDtypeStruct((NPAD, D_HID), jnp.float32),
    )(x_pad, w0)


def _tc_a_body(hist_ref, xw_ref, y0_ref, indeg_ref):
    ones = jnp.ones((NW, 1), jnp.float32)
    indeg = lax.dot_general(hist_ref[...], ones, (((0,), (0,)), ((), ())),
                            preferred_element_type=jnp.float32)
    dinv = lax.rsqrt(indeg + 1.0)
    y0_ref[...] = xw_ref[...] * dinv
    indeg_ref[...] = indeg


def _tc_a(hist, xw):
    return pl.pallas_call(
        _tc_a_body,
        grid=(NBLK,),
        in_specs=[
            pl.BlockSpec((NW, BLK), lambda i: (0, i)),
            _row_spec,
        ],
        out_specs=[_row_spec, _col_spec],
        out_shape=[
            jax.ShapeDtypeStruct((NPAD, D_HID), jnp.float32),
            jax.ShapeDtypeStruct((NPAD, 1), jnp.float32),
        ],
    )(hist, xw)


def _tc_b_body(p_ref, xw_ref, indeg_ref, b0_ref, g0_ref, be0_ref, w1_ref,
               y1_ref, hw1_ref, c1_ref, c2_ref, h_s, mm_s):
    ph = pl.program_id(0)
    i = pl.program_id(1)
    rows = i * BLK + lax.broadcasted_iota(jnp.int32, (BLK, 1), 0)
    valid = rows < N
    indeg = indeg_ref[...]

    @pl.when(ph == 0)
    def _():
        dinv = lax.rsqrt(indeg + 1.0)
        agg = ((p_ref[0] + p_ref[1]) * dinv
               + dinv * dinv * xw_ref[...] + b0_ref[...][None, :])
        mu = jnp.mean(agg, axis=1, keepdims=True)
        cen = agg - mu
        var = jnp.mean(cen * cen, axis=1, keepdims=True)
        h = (cen * lax.rsqrt(var + 1e-5) * g0_ref[...][None, :]
             + be0_ref[...][None, :])
        h = jnp.maximum(h, 0.0)
        h_s[pl.ds(i * BLK, BLK), :] = h
        scores = jnp.sqrt(jnp.sum(h * h, axis=1, keepdims=True))
        big = jnp.float32(3e38)
        mm_s[0, i] = jnp.min(jnp.where(valid, scores, big))
        mm_s[1, i] = jnp.max(jnp.where(valid, scores, -big))
        y1_ref[...] = jnp.zeros((BLK, D_HID), jnp.float32)
        hw1_ref[...] = jnp.zeros((BLK, D_OUT), jnp.float32)
        c1_ref[...] = jnp.zeros((BLK, 1), jnp.float32)
        c2_ref[...] = jnp.zeros((BLK, 1), jnp.float32)

    @pl.when(ph == 1)
    def _():
        smin = mm_s[0, 0]
        smax = mm_s[1, 0]
        for k in range(1, NBLK):
            smin = jnp.minimum(smin, mm_s[0, k])
            smax = jnp.maximum(smax, mm_s[1, k])
        h = h_s[pl.ds(i * BLK, BLK), :]
        scores = jnp.sqrt(jnp.sum(h * h, axis=1, keepdims=True))
        scn = (scores - smin) / (smax - smin + 1e-8)
        m = jnp.where(jnp.logical_and(scn > LCS, valid), 1.0, 0.0)
        dinv2 = lax.rsqrt(m * indeg + 1.0)
        hw1 = jnp.dot(h, w1_ref[...],
                      preferred_element_type=jnp.float32,
                      precision=lax.Precision.HIGHEST)
        y1 = hw1 * dinv2
        y1_ref[...] = jnp.concatenate(
            [y1, jnp.zeros((BLK, D_HID - D_OUT), jnp.float32)], axis=1)
        hw1_ref[...] = hw1
        c1_ref[...] = m * dinv2
        c2_ref[...] = dinv2 * dinv2


def _tc_b(p, xw, indeg, b0, g0, be0, w1):
    return pl.pallas_call(
        _tc_b_body,
        grid=(2, NBLK),
        in_specs=[pl.BlockSpec((2, BLK, D_HID), lambda ph, i: (0, i, 0)),
                  pl.BlockSpec((BLK, D_HID), lambda ph, i: (i, 0)),
                  pl.BlockSpec((BLK, 1), lambda ph, i: (i, 0)),
                  pl.BlockSpec((D_HID,), lambda ph, i: (0,)),
                  pl.BlockSpec((D_HID,), lambda ph, i: (0,)),
                  pl.BlockSpec((D_HID,), lambda ph, i: (0,)),
                  pl.BlockSpec((D_HID, D_OUT), lambda ph, i: (0, 0))],
        out_specs=[pl.BlockSpec((BLK, D_HID), lambda ph, i: (i, 0)),
                   pl.BlockSpec((BLK, D_OUT), lambda ph, i: (i, 0)),
                   pl.BlockSpec((BLK, 1), lambda ph, i: (i, 0)),
                   pl.BlockSpec((BLK, 1), lambda ph, i: (i, 0))],
        out_shape=[
            jax.ShapeDtypeStruct((NPAD, D_HID), jnp.float32),
            jax.ShapeDtypeStruct((NPAD, D_OUT), jnp.float32),
            jax.ShapeDtypeStruct((NPAD, 1), jnp.float32),
            jax.ShapeDtypeStruct((NPAD, 1), jnp.float32),
        ],
        scratch_shapes=[
            pltpu.VMEM((NPAD, D_HID), jnp.float32),
            pltpu.SMEM((2, NBLK), jnp.float32),
        ],
    )(p, xw, indeg, b0, g0, be0, w1)


def _tc_c_body(q_ref, hw1_ref, c1_ref, c2_ref, b1_ref, out_ref):
    q = q_ref[0] + q_ref[1]
    o = (q[:, :D_OUT] * c1_ref[...]
         + c2_ref[...] * hw1_ref[...] + b1_ref[...][None, :])
    z = o - jnp.max(o, axis=1, keepdims=True)
    out_ref[...] = z - jnp.log(jnp.sum(jnp.exp(z), axis=1, keepdims=True))


def _tc_c(q, hw1, c1, c2, b1):
    return pl.pallas_call(
        _tc_c_body,
        grid=(NBLK,),
        in_specs=[pl.BlockSpec((2, BLK, D_HID), lambda i: (0, i, 0)),
                  pl.BlockSpec((BLK, D_OUT), lambda i: (i, 0)),
                  _col_spec, _col_spec,
                  pl.BlockSpec((D_OUT,), lambda i: (0,))],
        out_specs=pl.BlockSpec((BLK, D_OUT), lambda i: (i, 0)),
        out_shape=jax.ShapeDtypeStruct((NPAD, D_OUT), jnp.float32),
    )(q, hw1, c1, c2, b1)


def kernel(x, edge_index, W0, b0, gamma0, beta0, W1, b1):
    nds = EPP - EPW
    ds_ = jnp.arange(nds, dtype=jnp.int32)
    dum_src = jnp.broadcast_to((ds_ * 97) % N, (NW, nds))
    ndd = EPP - EPW - CHUNK
    dd_ = jnp.arange(ndd, dtype=jnp.int32)
    dum_dst = jnp.broadcast_to(N + dd_ % (NPAD - N), (NW, ndd))
    ddl = jnp.arange(CHUNK, dtype=jnp.int32)
    dum_dst0 = jnp.broadcast_to(N + ddl % (NPAD - N), (NW, CHUNK))
    srcA = jnp.concatenate(
        [edge_index[0].reshape(NW, EPW), dum_src], axis=1
    ).reshape(NW, 1, NROW, UROW)
    dstA = jnp.concatenate(
        [dum_dst0, edge_index[1].reshape(NW, EPW), dum_dst], axis=1
    ).reshape(NW, 1, NROW, UROW)
    edges = jnp.concatenate([srcA, dstA], axis=1)
    dst_flat = edge_index[1].reshape(NW, EPW)
    x_pad = jnp.pad(x, ((0, NPAD - N), (0, 0)))

    hist = _sc_hist(dst_flat)
    xw = _tc_mm(x_pad, W0)
    y0, indeg = _tc_a(hist, xw)
    parts0 = _sc_segsum_hid(y0, edges)
    y1, hw1, c1, c2 = _tc_b(parts0, xw, indeg, b0, gamma0, beta0, W1)
    parts1 = _sc_segsum_hid(y1, edges)
    out = _tc_c(parts1, hw1, c1, c2, b1)
    return out[:N]

# --- scband reference (transcript-rebuilt; emitter-appended) ---
"""Pipeline reference for scband-scale-gnn-84129819394303 (READ-ONLY COPY).

The authoritative reference and input builder live on the scoring server;
editing this copy changes nothing except your own understanding.
"""

import jax, jax.numpy as jnp
import numpy as np

N = 10000
E = 320000
D_IN = 128
D_HID = 128
D_OUT = 64
LCS_THRESHOLD = 0.1


def _layer_norm(h, gamma, beta, eps=1e-5):
    mu = jnp.mean(h, axis=-1, keepdims=True)
    var = jnp.var(h, axis=-1, keepdims=True)
    return (h - mu) / jnp.sqrt(var + eps) * gamma + beta


def _gcn_conv(x, W, b, src, dst, edge_w, n):
    # PyG GCNConv with add_self_loops=True, symmetric normalization.
    # Edges with edge_w == 0 contribute nothing to degree nor aggregation,
    # which is exactly equivalent to filtering them out of edge_index.
    xw = x @ W
    deg = jnp.zeros((n,), dtype=x.dtype).at[dst].add(edge_w) + 1.0  # +1 for self loop
    dinv = jax.lax.rsqrt(deg)
    norm = dinv[src] * dinv[dst] * edge_w
    agg = jnp.zeros((n, xw.shape[1]), dtype=x.dtype).at[dst].add(norm[:, None] * xw[src])
    agg = agg + (dinv * dinv)[:, None] * xw  # self-loop contribution
    return agg + b


def setup_inputs(seed: int = 0):
    key = jax.random.key(seed)
    ks = jax.random.split(key, 8)
    x = jax.random.normal(ks[0], (N, D_IN), dtype=jnp.float32)
    edge_index = jax.random.randint(ks[1], (2, E), 0, N, dtype=jnp.int32)
    W0 = jax.random.normal(ks[2], (D_IN, D_HID), dtype=jnp.float32) / np.sqrt(D_IN)
    b0 = jnp.zeros((D_HID,), dtype=jnp.float32)
    gamma0 = jnp.ones((D_HID,), dtype=jnp.float32)
    beta0 = jnp.zeros((D_HID,), dtype=jnp.float32)
    W1 = jax.random.normal(ks[3], (D_HID, D_OUT), dtype=jnp.float32) / np.sqrt(D_HID)
    b1 = jnp.zeros((D_OUT,), dtype=jnp.float32)
    return {"x": x, "edge_index": edge_index, "W0": W0, "b0": b0,
            "gamma0": gamma0, "beta0": beta0, "W1": W1, "b1": b1}


def reference(x, edge_index, W0, b0, gamma0, beta0, W1, b1):
    # ScaleGNN._forward_standard, num_layers=2, dropout=0.0 (eval/no-op)
    src = edge_index[0]
    dst = edge_index[1]
    n = x.shape[0]
    # layer 0: unfiltered edges
    ones_w = jnp.ones((src.shape[0],), dtype=x.dtype)
    h = _gcn_conv(x, W0, b0, src, dst, ones_w, n)
    h = _layer_norm(h, gamma0, beta0)
    h = jax.nn.relu(h)
    # LCS filtering before layer 1: keep edges whose dst node score > threshold
    scores = jnp.linalg.norm(h, axis=1)
    scores = (scores - scores.min()) / (scores.max() - scores.min() + 1e-8)
    mask = (scores[dst] > LCS_THRESHOLD).astype(x.dtype)
    out = _gcn_conv(h, W1, b1, src, dst, mask, n)
    return jax.nn.log_softmax(out, axis=1)

if __name__ == "__main__":
    import jax
    _d = setup_inputs()
    print(jax.jit(kernel)(*tuple(_d.values())))

</pallas_src>

<mosaic_0001>
#map = affine_map<(d0, d1) -> (0, 0)>
#map1 = affine_map<(d0, d1) -> (0, 0, 0, 0)>
#map2 = affine_map<(d0, d1) -> (0, 0, 0)>
module attributes {stable_mosaic.version = 14 : i64} {
  func.func @_sc_segsum(%arg0: i32, %arg1: i32, %arg2: memref<10240x128xf32, #tpu.memory_space<hbm>>, %arg3: memref<32x2x80x128xi32, #tpu.memory_space<hbm>>, %arg4: memref<2x10240x128xf32, #tpu.memory_space<hbm>>, %arg5: memref<2x80x128xi32, #tpu.memory_space<vmem>>, %arg6: memref<128x128xf32, #tpu.memory_space<vmem>>, %arg7: memref<10240x128xf32, #tpu.memory_space<vmem_shared>>, %arg8: memref<!tpu.dma_semaphore, #tpu.memory_space<semaphore_mem>>) attributes {dimension_semantics = [#tpu.dimension_semantics<core_parallel>, #tpu.dimension_semantics<subcore_parallel>], iteration_bounds = array<i64: 2, 16>, scalar_prefetch = 0 : i64, scratch_operands = 4 : i64, tpu.core_type = #tpu.core_type<sc_vector_subcore>, window_params = [{transform_indices = #map}, {transform_indices = #map1}, {transform_indices = #map2}]} {
    %mul3A = arith.constant 2 : i32
    %mul3A_0 = arith.muli %arg1, %mul3A : i32
    %add3A = arith.addi %mul3A_0, %arg0 : i32
    %mul3A_1 = arith.constant 640 : i32
    %mul3A_2 = arith.muli %arg1, %mul3A_1 : i32
    "tpu.region"() ({
      %run_scoped3A = tpu.sem_alloc : memref<!tpu.dma_semaphore, #tpu.memory_space<semaphore_mem>>
      %dma_start3A = arith.constant 0 : i32
      %dma_start3A_24 = arith.constant 0 : i32
      %dma_start3A_25 = arith.constant 0 : i32
      %dma_start3A_26 = tpu.memref_slice %arg3[%add3A, %dma_start3A, %dma_start3A_24, %dma_start3A_25] : memref<32x2x80x128xi32, #tpu.memory_space<hbm>> -> memref<1x2x80x128xi32, #tpu.memory_space<hbm>>
      %dma_start3A_27 = tpu.memref_squeeze %dma_start3A_26 : memref<1x2x80x128xi32, #tpu.memory_space<hbm>> -> memref<2x80x128xi32, #tpu.memory_space<hbm>>
      %dma_start3A_28 = arith.constant 0 : i32
      %dma_start3A_29 = arith.constant 0 : i32
      %dma_start3A_30 = arith.constant 0 : i32
      %dma_start3A_31 = tpu.memref_slice %arg3[%add3A, %dma_start3A_28, %dma_start3A_29, %dma_start3A_30] : memref<32x2x80x128xi32, #tpu.memory_space<hbm>> -> memref<1x2x80x128xi32, #tpu.memory_space<hbm>>
      %dma_start3A_32 = tpu.memref_squeeze %dma_start3A_31 : memref<1x2x80x128xi32, #tpu.memory_space<hbm>> -> memref<2x80x128xi32, #tpu.memory_space<hbm>>
      tpu.enqueue_dma source(%dma_start3A_32 : memref<2x80x128xi32, #tpu.memory_space<hbm>>) target(%arg5 : memref<2x80x128xi32, #tpu.memory_space<vmem>>) target_semaphore(%run_scoped3A : memref<!tpu.dma_semaphore, #tpu.memory_space<semaphore_mem>>)
      %dma_wait3A = arith.constant 0 : i32
      %dma_wait3A_33 = arith.constant 0 : i32
      %dma_wait3A_34 = arith.constant 0 : i32
      %dma_wait3A_35 = tpu.memref_slice %arg3[%add3A, %dma_wait3A, %dma_wait3A_33, %dma_wait3A_34] : memref<32x2x80x128xi32, #tpu.memory_space<hbm>> -> memref<1x2x80x128xi32, #tpu.memory_space<hbm>>
      %dma_wait3A_36 = tpu.memref_squeeze %dma_wait3A_35 : memref<1x2x80x128xi32, #tpu.memory_space<hbm>> -> memref<2x80x128xi32, #tpu.memory_space<hbm>>
      %dma_wait3A_37 = arith.constant 0 : i32
      %dma_wait3A_38 = arith.constant 0 : i32
      %dma_wait3A_39 = arith.constant 0 : i32
      %dma_wait3A_40 = tpu.memref_slice %arg3[%add3A, %dma_wait3A_37, %dma_wait3A_38, %dma_wait3A_39] : memref<32x2x80x128xi32, #tpu.memory_space<hbm>> -> memref<1x2x80x128xi32, #tpu.memory_space<hbm>>
      %dma_wait3A_41 = tpu.memref_squeeze %dma_wait3A_40 : memref<1x2x80x128xi32, #tpu.memory_space<hbm>> -> memref<2x80x128xi32, #tpu.memory_space<hbm>>
      tpu.wait_dma2 semaphore(%run_scoped3A : memref<!tpu.dma_semaphore, #tpu.memory_space<semaphore_mem>>) src(%dma_wait3A_41 : memref<2x80x128xi32, #tpu.memory_space<hbm>>) dst(%arg5 : memref<2x80x128xi32, #tpu.memory_space<vmem>>)
      tpu.yield
    }) : () -> ()
    %broadcast_in_dim3A = arith.constant 0.000000e+00 : f32
    %broadcast_in_dim3A_3 = vector.broadcast %broadcast_in_dim3A : f32 to vector<16xf32>
    %scan3A = arith.constant 0 : i32
    %scan3A_4 = arith.constant 128 : i32
    %scan3A_5 = arith.addi %scan3A, %scan3A_4 : i32
    %scan3A_6 = arith.constant 1 : i32
    scf.for %scan3A_24 = %scan3A to %scan3A_5 step %scan3A_6  : i32 {
      %mul3A_25 = arith.constant 1 : i32
      %mul3A_26 = arith.muli %scan3A_24, %mul3A_25 : i32
      %add3A_27 = arith.constant 0 : i32
      %add3A_28 = arith.addi %add3A_27, %mul3A_26 : i32
      %scan3A_29 = arith.constant 0 : i32
      %scan3A_30 = arith.constant 8 : i32
      %scan3A_31 = arith.addi %scan3A_29, %scan3A_30 : i32
      %scan3A_32 = arith.constant 1 : i32
      scf.for %scan3A_34 = %scan3A_29 to %scan3A_31 step %scan3A_32  : i32 {
        %mul3A_35 = arith.constant 1 : i32
        %mul3A_36 = arith.muli %scan3A_34, %mul3A_35 : i32
        %add3A_37 = arith.constant 0 : i32
        %add3A_38 = arith.addi %add3A_37, %mul3A_36 : i32
        %mul3A_39 = arith.constant 16 : i32
        %mul3A_40 = arith.muli %add3A_38, %mul3A_39 : i32
        %swap3A = arith.index_cast %add3A_28 : i32 to index
        %swap3A_41 = arith.index_cast %mul3A_40 : i32 to index
        %swap3A_42 = tpu.vector_load %arg6[%swap3A, %swap3A_41] {strides = array<i32>} : memref<128x128xf32, #tpu.memory_space<vmem>>, vector<1x16xf32>,
        %swap3A_43 = vector.shape_cast %swap3A_42 : vector<1x16xf32> to vector<16xf32>
        %swap3A_44 = vector.shape_cast %broadcast_in_dim3A_3 : vector<16xf32> to vector<1x16xf32>
        tpu.vector_store %arg6[%swap3A, %swap3A_41], %swap3A_44 {strides = array<i32>} : memref<128x128xf32, #tpu.memory_space<vmem>>, vector<1x16xf32>,
      }
      %scan3A_33 = arith.constant 8 : i32
    }
    %scan3A_7 = arith.constant 128 : i32
    %scan3A_8 = arith.constant 0 : i32
    %scan3A_9 = arith.constant 5 : i32
    %scan3A_10 = arith.addi %scan3A_8, %scan3A_9 : i32
    %scan3A_11 = arith.constant 1 : i32
    scf.for %scan3A_24 = %scan3A_8 to %scan3A_10 step %scan3A_11  : i32 {
      %mul3A_25 = arith.constant 1 : i32
      %mul3A_26 = arith.muli %scan3A_24, %mul3A_25 : i32
      %add3A_27 = arith.constant 0 : i32
      %add3A_28 = arith.addi %add3A_27, %mul3A_26 : i32
      %mul3A_29 = arith.constant 128 : i32
      %mul3A_30 = arith.muli %add3A_28, %mul3A_29 : i32
      %add3A_31 = arith.addi %mul3A_2, %mul3A_30 : i32
      "tpu.region"() ({
        %run_scoped3A = tpu.sem_alloc : memref<!tpu.dma_semaphore, #tpu.memory_space<semaphore_mem>>
        %dma_start3A = arith.constant 0 : i32
        %dma_start3A_32 = tpu.memref_slice %arg7[%add3A_31, %dma_start3A] : memref<10240x128xf32, #tpu.memory_space<vmem_shared>> -> memref<128x128xf32, #tpu.memory_space<vmem_shared>>
        %dma_start3A_33 = arith.constant 0 : i32
        %dma_start3A_34 = tpu.memref_slice %arg7[%add3A_31, %dma_start3A_33] : memref<10240x128xf32, #tpu.memory_space<vmem_shared>> -> memref<128x128xf32, #tpu.memory_space<vmem_shared>>
        tpu.enqueue_dma source(%arg6 : memref<128x128xf32, #tpu.memory_space<vmem>>) target(%dma_start3A_34 : memref<128x128xf32, #tpu.memory_space<vmem_shared>>) target_semaphore(%run_scoped3A : memref<!tpu.dma_semaphore, #tpu.memory_space<semaphore_mem>>)
        %dma_wait3A = arith.constant 0 : i32
        %dma_wait3A_35 = tpu.memref_slice %arg7[%add3A_31, %dma_wait3A] : memref<10240x128xf32, #tpu.memory_space<vmem_shared>> -> memref<128x128xf32, #tpu.memory_space<vmem_shared>>
        %dma_wait3A_36 = arith.constant 0 : i32
        %dma_wait3A_37 = tpu.memref_slice %arg7[%add3A_31, %dma_wait3A_36] : memref<10240x128xf32, #tpu.memory_space<vmem_shared>> -> memref<128x128xf32, #tpu.memory_space<vmem_shared>>
        tpu.wait_dma2 semaphore(%run_scoped3A : memref<!tpu.dma_semaphore, #tpu.memory_space<semaphore_mem>>) src(%arg6 : memref<128x128xf32, #tpu.memory_space<vmem>>) dst(%dma_wait3A_37 : memref<128x128xf32, #tpu.memory_space<vmem_shared>>)
        tpu.yield
      }) : () -> ()
    }
    %scan3A_12 = arith.constant 5 : i32
    %barrier3A = arith.constant 0 : index
    tpu.barrier barrier_id(%barrier3A)
    %scan3A_13 = arith.constant 0 : i32
    %scan3A_14 = arith.constant 160 : i32
    %scan3A_15 = arith.addi %scan3A_13, %scan3A_14 : i32
    %scan3A_16 = arith.constant 1 : i32
    scf.for %scan3A_24 = %scan3A_13 to %scan3A_15 step %scan3A_16  : i32 {
      %mul3A_25 = arith.constant 1 : i32
      %mul3A_26 = arith.muli %scan3A_24, %mul3A_25 : i32
      %add3A_27 = arith.constant 0 : i32
      %add3A_28 = arith.addi %add3A_27, %mul3A_26 : i32
      %div3A = arith.constant 2 : i32
      %div3A_29 = arith.divsi %add3A_28, %div3A : i32
      %rem3A = arith.constant 2 : i32
      %rem3A_30 = arith.remsi %add3A_28, %rem3A : i32
      %mul3A_31 = arith.constant 64 : i32
      %mul3A_32 = arith.muli %rem3A_30, %mul3A_31 : i32
      %sub3A = arith.constant 64 : i32
      %sub3A_33 = arith.subi %sub3A, %mul3A_32 : i32
      %dma_start3A = arith.constant 0 : i32
      %dma_start3A_34 = arith.constant 0 : i32
      %dma_start3A_35 = tpu.memref_slice %arg6[%mul3A_32, %dma_start3A_34] : memref<128x128xf32, #tpu.memory_space<vmem>> -> memref<64x128xf32, #tpu.memory_space<vmem>>
      %dma_start3A_36 = tpu.memref_slice %arg5[%dma_start3A, %div3A_29, %mul3A_32] : memref<2x80x128xi32, #tpu.memory_space<vmem>> -> memref<1x1x64xi32, #tpu.memory_space<vmem>>
      %dma_start3A_37 = tpu.memref_squeeze %dma_start3A_36 : memref<1x1x64xi32, #tpu.memory_space<vmem>> -> memref<64xi32, #tpu.memory_space<vmem>>
      %dma_start3A_38 = arith.constant 0 : i32
      %dma_start3A_39 = arith.constant 0 : i32
      %dma_start3A_40 = tpu.memref_slice %arg2[%dma_start3A_38, %dma_start3A_39] : memref<10240x128xf32, #tpu.memory_space<hbm>> -> memref<10240x128xf32, #tpu.memory_space<hbm>>
      tpu.enqueue_indirect_dma source(%dma_start3A_40 : memref<10240x128xf32, #tpu.memory_space<hbm>>) target(%dma_start3A_35 : memref<64x128xf32, #tpu.memory_space<vmem>>) offsets(%dma_start3A_37 : memref<64xi32, #tpu.memory_space<vmem>>) semaphore(%arg8 : memref<!tpu.dma_semaphore, #tpu.memory_space<semaphore_mem>>)
      %run_scoped3A = arith.constant 1 : i32
      "tpu.region"() ({
        %run_scoped3A_48 = tpu.sem_alloc : memref<!tpu.dma_semaphore, #tpu.memory_space<semaphore_mem>>
        %dma_start3A_49 = arith.constant 0 : i32
        %dma_start3A_50 = tpu.memref_slice %arg6[%sub3A_33, %dma_start3A_49] : memref<128x128xf32, #tpu.memory_space<vmem>> -> memref<64x128xf32, #tpu.memory_space<vmem>>
        %dma_start3A_51 = tpu.memref_slice %arg5[%run_scoped3A, %div3A_29, %mul3A_32] : memref<2x80x128xi32, #tpu.memory_space<vmem>> -> memref<1x1x64xi32, #tpu.memory_space<vmem>>
        %dma_start3A_52 = tpu.memref_squeeze %dma_start3A_51 : memref<1x1x64xi32, #tpu.memory_space<vmem>> -> memref<64xi32, #tpu.memory_space<vmem>>
        %dma_start3A_53 = arith.constant 0 : i32
        %dma_start3A_54 = arith.constant 0 : i32
        %dma_start3A_55 = tpu.memref_slice %arg7[%dma_start3A_53, %dma_start3A_54] : memref<10240x128xf32, #tpu.memory_space<vmem_shared>> -> memref<10240x128xf32, #tpu.memory_space<vmem_shared>>
        tpu.enqueue_indirect_dma source(%dma_start3A_50 : memref<64x128xf32, #tpu.memory_space<vmem>>) target(%dma_start3A_55 : memref<10240x128xf32, #tpu.memory_space<vmem_shared>>) offsets(%dma_start3A_52 : memref<64xi32, #tpu.memory_space<vmem>>) semaphore(%run_scoped3A_48 : memref<!tpu.dma_semaphore, #tpu.memory_space<semaphore_mem>>) {add = true}
        %dma_wait3A_56 = arith.constant 0 : i32
        %dma_wait3A_57 = tpu.memref_slice %arg6[%sub3A_33, %dma_wait3A_56] : memref<128x128xf32, #tpu.memory_space<vmem>> -> memref<64x128xf32, #tpu.memory_space<vmem>>
        %dma_wait3A_58 = tpu.memref_slice %arg5[%run_scoped3A, %div3A_29, %mul3A_32] : memref<2x80x128xi32, #tpu.memory_space<vmem>> -> memref<1x1x64xi32, #tpu.memory_space<vmem>>
        %dma_wait3A_59 = tpu.memref_squeeze %dma_wait3A_58 : memref<1x1x64xi32, #tpu.memory_space<vmem>> -> memref<64xi32, #tpu.memory_space<vmem>>
        %dma_wait3A_60 = arith.constant 0 : i32
        %dma_wait3A_61 = arith.constant 0 : i32
        %dma_wait3A_62 = tpu.memref_slice %arg7[%dma_wait3A_60, %dma_wait3A_61] : memref<10240x128xf32, #tpu.memory_space<vmem_shared>> -> memref<10240x128xf32, #tpu.memory_space<vmem_shared>>
        tpu.wait_indirect_dma semaphore(%run_scoped3A_48 : memref<!tpu.dma_semaphore, #tpu.memory_space<semaphore_mem>>) src(%dma_wait3A_57 : memref<64x128xf32, #tpu.memory_space<vmem>>) dst(%dma_wait3A_62 : memref<10240x128xf32, #tpu.memory_space<vmem_shared>>)
        tpu.yield
      }) : () -> ()
      %dma_wait3A = arith.constant 0 : i32
      %dma_wait3A_41 = arith.constant 0 : i32
      %dma_wait3A_42 = tpu.memref_slice %arg6[%mul3A_32, %dma_wait3A_41] : memref<128x128xf32, #tpu.memory_space<vmem>> -> memref<64x128xf32, #tpu.memory_space<vmem>>
      %dma_wait3A_43 = tpu.memref_slice %arg5[%dma_wait3A, %div3A_29, %mul3A_32] : memref<2x80x128xi32, #tpu.memory_space<vmem>> -> memref<1x1x64xi32, #tpu.memory_space<vmem>>
      %dma_wait3A_44 = tpu.memref_squeeze %dma_wait3A_43 : memref<1x1x64xi32, #tpu.memory_space<vmem>> -> memref<64xi32, #tpu.memory_space<vmem>>
      %dma_wait3A_45 = arith.constant 0 : i32
      %dma_wait3A_46 = arith.constant 0 : i32
      %dma_wait3A_47 = tpu.memref_slice %arg2[%dma_wait3A_45, %dma_wait3A_46] : memref<10240x128xf32, #tpu.memory_space<hbm>> -> memref<10240x128xf32, #tpu.memory_space<hbm>>
      tpu.wait_indirect_dma semaphore(%arg8 : memref<!tpu.dma_semaphore, #tpu.memory_space<semaphore_mem>>) src(%dma_wait3A_47 : memref<10240x128xf32, #tpu.memory_space<hbm>>) dst(%dma_wait3A_42 : memref<64x128xf32, #tpu.memory_space<vmem>>)
    }
    %scan3A_17 = arith.constant 160 : i32
    %barrier3A_18 = arith.constant 0 : index
    tpu.barrier barrier_id(%barrier3A_18)
    %scan3A_19 = arith.constant 0 : i32
    %scan3A_20 = arith.constant 5 : i32
    %scan3A_21 = arith.addi %scan3A_19, %scan3A_20 : i32
    %scan3A_22 = arith.constant 1 : i32
    scf.for %scan3A_24 = %scan3A_19 to %scan3A_21 step %scan3A_22  : i32 {
      %mul3A_25 = arith.constant 1 : i32
      %mul3A_26 = arith.muli %scan3A_24, %mul3A_25 : i32
      %add3A_27 = arith.constant 0 : i32
      %add3A_28 = arith.addi %add3A_27, %mul3A_26 : i32
      %mul3A_29 = arith.constant 128 : i32
      %mul3A_30 = arith.muli %add3A_28, %mul3A_29 : i32
      %add3A_31 = arith.addi %mul3A_2, %mul3A_30 : i32
      "tpu.region"() ({
        %run_scoped3A = tpu.sem_alloc : memref<!tpu.dma_semaphore, #tpu.memory_space<semaphore_mem>>
        %dma_start3A = arith.constant 0 : i32
        %dma_start3A_32 = tpu.memref_slice %arg7[%add3A_31, %dma_start3A] : memref<10240x128xf32, #tpu.memory_space<vmem_shared>> -> memref<128x128xf32, #tpu.memory_space<vmem_shared>>
        %dma_start3A_33 = arith.constant 0 : i32
        %dma_start3A_34 = tpu.memref_slice %arg7[%add3A_31, %dma_start3A_33] : memref<10240x128xf32, #tpu.memory_space<vmem_shared>> -> memref<128x128xf32, #tpu.memory_space<vmem_shared>>
        tpu.enqueue_dma source(%dma_start3A_34 : memref<128x128xf32, #tpu.memory_space<vmem_shared>>) target(%arg6 : memref<128x128xf32, #tpu.memory_space<vmem>>) target_semaphore(%run_scoped3A : memref<!tpu.dma_semaphore, #tpu.memory_space<semaphore_mem>>)
        %dma_wait3A = arith.constant 0 : i32
        %dma_wait3A_35 = tpu.memref_slice %arg7[%add3A_31, %dma_wait3A] : memref<10240x128xf32, #tpu.memory_space<vmem_shared>> -> memref<128x128xf32, #tpu.memory_space<vmem_shared>>
        %dma_wait3A_36 = arith.constant 0 : i32
        %dma_wait3A_37 = tpu.memref_slice %arg7[%add3A_31, %dma_wait3A_36] : memref<10240x128xf32, #tpu.memory_space<vmem_shared>> -> memref<128x128xf32, #tpu.memory_space<vmem_shared>>
        tpu.wait_dma2 semaphore(%run_scoped3A : memref<!tpu.dma_semaphore, #tpu.memory_space<semaphore_mem>>) src(%dma_wait3A_37 : memref<128x128xf32, #tpu.memory_space<vmem_shared>>) dst(%arg6 : memref<128x128xf32, #tpu.memory_space<vmem>>)
        tpu.yield
      }) : () -> ()
      "tpu.region"() ({
        %run_scoped3A = tpu.sem_alloc : memref<!tpu.dma_semaphore, #tpu.memory_space<semaphore_mem>>
        %dma_start3A = arith.constant 0 : i32
        %dma_start3A_32 = tpu.memref_slice %arg4[%arg0, %add3A_31, %dma_start3A] : memref<2x10240x128xf32, #tpu.memory_space<hbm>> -> memref<1x128x128xf32, #tpu.memory_space<hbm>>
        %dma_start3A_33 = tpu.memref_squeeze %dma_start3A_32 : memref<1x128x128xf32, #tpu.memory_space<hbm>> -> memref<128x128xf32, #tpu.memory_space<hbm>>
        %dma_start3A_34 = arith.constant 0 : i32
        %dma_start3A_35 = tpu.memref_slice %arg4[%arg0, %add3A_31, %dma_start3A_34] : memref<2x10240x128xf32, #tpu.memory_space<hbm>> -> memref<1x128x128xf32, #tpu.memory_space<hbm>>
        %dma_start3A_36 = tpu.memref_squeeze %dma_start3A_35 : memref<1x128x128xf32, #tpu.memory_space<hbm>> -> memref<128x128xf32, #tpu.memory_space<hbm>>
        tpu.enqueue_dma source(%arg6 : memref<128x128xf32, #tpu.memory_space<vmem>>) target(%dma_start3A_36 : memref<128x128xf32, #tpu.memory_space<hbm>>) target_semaphore(%run_scoped3A : memref<!tpu.dma_semaphore, #tpu.memory_space<semaphore_mem>>)
        %dma_wait3A = arith.constant 0 : i32
        %dma_wait3A_37 = tpu.memref_slice %arg4[%arg0, %add3A_31, %dma_wait3A] : memref<2x10240x128xf32, #tpu.memory_space<hbm>> -> memref<1x128x128xf32, #tpu.memory_space<hbm>>
        %dma_wait3A_38 = tpu.memref_squeeze %dma_wait3A_37 : memref<1x128x128xf32, #tpu.memory_space<hbm>> -> memref<128x128xf32, #tpu.memory_space<hbm>>
        %dma_wait3A_39 = arith.constant 0 : i32
        %dma_wait3A_40 = tpu.memref_slice %arg4[%arg0, %add3A_31, %dma_wait3A_39] : memref<2x10240x128xf32, #tpu.memory_space<hbm>> -> memref<1x128x128xf32, #tpu.memory_space<hbm>>
        %dma_wait3A_41 = tpu.memref_squeeze %dma_wait3A_40 : memref<1x128x128xf32, #tpu.memory_space<hbm>> -> memref<128x128xf32, #tpu.memory_space<hbm>>
        tpu.wait_dma2 semaphore(%run_scoped3A : memref<!tpu.dma_semaphore, #tpu.memory_space<semaphore_mem>>) src(%arg6 : memref<128x128xf32, #tpu.memory_space<vmem>>) dst(%dma_wait3A_41 : memref<128x128xf32, #tpu.memory_space<hbm>>)
        tpu.yield
      }) : () -> ()
    }
    %scan3A_23 = arith.constant 5 : i32
    return
  }
}

#map = affine_map<(d0, d1) -> (0, 0)>
module attributes {stable_mosaic.version = 14 : i64} {
  func.func @_sc_hist(%arg0: i32, %arg1: i32, %arg2: memref<32x10000xi32, #tpu.memory_space<hbm>>, %arg3: memref<32x10240xf32, #tpu.memory_space<hbm>>, %arg4: memref<10000xi32, #tpu.memory_space<vmem>>, %arg5: memref<10240xf32, #tpu.memory_space<vmem>>) attributes {dimension_semantics = [#tpu.dimension_semantics<core_parallel>, #tpu.dimension_semantics<subcore_parallel>], iteration_bounds = array<i64: 2, 16>, scalar_prefetch = 0 : i64, scratch_operands = 2 : i64, tpu.core_type = #tpu.core_type<sc_vector_subcore>, window_params = [{transform_indices = #map}, {transform_indices = #map}]} {
    %mul3A = arith.constant 2 : i32
    %mul3A_0 = arith.muli %arg1, %mul3A : i32
    %add3A = arith.addi %mul3A_0, %arg0 : i32
    "tpu.region"() ({
      %run_scoped3A = tpu.sem_alloc : memref<!tpu.dma_semaphore, #tpu.memory_space<semaphore_mem>>
      %dma_start3A = arith.constant 0 : i32
      %dma_start3A_13 = tpu.memref_slice %arg2[%add3A, %dma_start3A] : memref<32x10000xi32, #tpu.memory_space<hbm>> -> memref<1x10000xi32, #tpu.memory_space<hbm>>
      %dma_start3A_14 = tpu.memref_squeeze %dma_start3A_13 : memref<1x10000xi32, #tpu.memory_space<hbm>> -> memref<10000xi32, #tpu.memory_space<hbm>>
      %dma_start3A_15 = arith.constant 0 : i32
      %dma_start3A_16 = tpu.memref_slice %arg2[%add3A, %dma_start3A_15] : memref<32x10000xi32, #tpu.memory_space<hbm>> -> memref<1x10000xi32, #tpu.memory_space<hbm>>
      %dma_start3A_17 = tpu.memref_squeeze %dma_start3A_16 : memref<1x10000xi32, #tpu.memory_space<hbm>> -> memref<10000xi32, #tpu.memory_space<hbm>>
      tpu.enqueue_dma source(%dma_start3A_17 : memref<10000xi32, #tpu.memory_space<hbm>>) target(%arg4 : memref<10000xi32, #tpu.memory_space<vmem>>) target_semaphore(%run_scoped3A : memref<!tpu.dma_semaphore, #tpu.memory_space<semaphore_mem>>)
      %dma_wait3A = arith.constant 0 : i32
      %dma_wait3A_18 = tpu.memref_slice %arg2[%add3A, %dma_wait3A] : memref<32x10000xi32, #tpu.memory_space<hbm>> -> memref<1x10000xi32, #tpu.memory_space<hbm>>
      %dma_wait3A_19 = tpu.memref_squeeze %dma_wait3A_18 : memref<1x10000xi32, #tpu.memory_space<hbm>> -> memref<10000xi32, #tpu.memory_space<hbm>>
      %dma_wait3A_20 = arith.constant 0 : i32
      %dma_wait3A_21 = tpu.memref_slice %arg2[%add3A, %dma_wait3A_20] : memref<32x10000xi32, #tpu.memory_space<hbm>> -> memref<1x10000xi32, #tpu.memory_space<hbm>>
      %dma_wait3A_22 = tpu.memref_squeeze %dma_wait3A_21 : memref<1x10000xi32, #tpu.memory_space<hbm>> -> memref<10000xi32, #tpu.memory_space<hbm>>
      tpu.wait_dma2 semaphore(%run_scoped3A : memref<!tpu.dma_semaphore, #tpu.memory_space<semaphore_mem>>) src(%dma_wait3A_22 : memref<10000xi32, #tpu.memory_space<hbm>>) dst(%arg4 : memref<10000xi32, #tpu.memory_space<vmem>>)
      tpu.yield
    }) : () -> ()
    %broadcast_in_dim3A = arith.constant 0.000000e+00 : f32
    %broadcast_in_dim3A_1 = vector.broadcast %broadcast_in_dim3A : f32 to vector<16xf32>
    %scan3A = arith.constant 0 : i32
    %scan3A_2 = arith.constant 640 : i32
    %scan3A_3 = arith.addi %scan3A, %scan3A_2 : i32
    %scan3A_4 = arith.constant 1 : i32
    scf.for %scan3A_13 = %scan3A to %scan3A_3 step %scan3A_4  : i32 {
      %mul3A_14 = arith.constant 1 : i32
      %mul3A_15 = arith.muli %scan3A_13, %mul3A_14 : i32
      %add3A_16 = arith.constant 0 : i32
      %add3A_17 = arith.addi %add3A_16, %mul3A_15 : i32
      %mul3A_18 = arith.constant 16 : i32
      %mul3A_19 = arith.muli %add3A_17, %mul3A_18 : i32
      %swap3A = arith.index_cast %mul3A_19 : i32 to index
      %swap3A_20 = tpu.vector_load %arg5[%swap3A] {strides = array<i32>} : memref<10240xf32, #tpu.memory_space<vmem>>, vector<16xf32>,
      tpu.vector_store %arg5[%swap3A], %broadcast_in_dim3A_1 {strides = array<i32>} : memref<10240xf32, #tpu.memory_space<vmem>>, vector<16xf32>,
    }
    %scan3A_5 = arith.constant 640 : i32
    %broadcast_in_dim3A_6 = arith.constant 1.000000e+00 : f32
    %broadcast_in_dim3A_7 = vector.broadcast %broadcast_in_dim3A_6 : f32 to vector<16xf32>
    %scan3A_8 = arith.constant 0 : i32
    %scan3A_9 = arith.constant 625 : i32
    %scan3A_10 = arith.addi %scan3A_8, %scan3A_9 : i32
    %scan3A_11 = arith.constant 1 : i32
    scf.for %scan3A_13 = %scan3A_8 to %scan3A_10 step %scan3A_11  : i32 {
      %mul3A_14 = arith.constant 1 : i32
      %mul3A_15 = arith.muli %scan3A_13, %mul3A_14 : i32
      %add3A_16 = arith.constant 0 : i32
      %add3A_17 = arith.addi %add3A_16, %mul3A_15 : i32
      %mul3A_18 = arith.constant 16 : i32
      %mul3A_19 = arith.muli %add3A_17, %mul3A_18 : i32
      %get3A = arith.index_cast %mul3A_19 : i32 to index
      %get3A_20 = tpu.vector_load %arg4[%get3A] {strides = array<i32>} : memref<10000xi32, #tpu.memory_space<vmem>>, vector<16xi32>,
      tpu.vector_store_idx %arg5[%get3A_20], %broadcast_in_dim3A_7 {add = true} : memref<10240xf32, #tpu.memory_space<vmem>>[vector<16xi32>], vector<16xf32>,
    }
    %scan3A_12 = arith.constant 625 : i32
    "tpu.region"() ({
      %run_scoped3A = tpu.sem_alloc : memref<!tpu.dma_semaphore, #tpu.memory_space<semaphore_mem>>
      %dma_start3A = arith.constant 0 : i32
      %dma_start3A_13 = tpu.memref_slice %arg3[%add3A, %dma_start3A] : memref<32x10240xf32, #tpu.memory_space<hbm>> -> memref<1x10240xf32, #tpu.memory_space<hbm>>
      %dma_start3A_14 = tpu.memref_squeeze %dma_start3A_13 : memref<1x10240xf32, #tpu.memory_space<hbm>> -> memref<10240xf32, #tpu.memory_space<hbm>>
      %dma_start3A_15 = arith.constant 0 : i32
      %dma_start3A_16 = tpu.memref_slice %arg3[%add3A, %dma_start3A_15] : memref<32x10240xf32, #tpu.memory_space<hbm>> -> memref<1x10240xf32, #tpu.memory_space<hbm>>
      %dma_start3A_17 = tpu.memref_squeeze %dma_start3A_16 : memref<1x10240xf32, #tpu.memory_space<hbm>> -> memref<10240xf32, #tpu.memory_space<hbm>>
      tpu.enqueue_dma source(%arg5 : memref<10240xf32, #tpu.memory_space<vmem>>) target(%dma_start3A_17 : memref<10240xf32, #tpu.memory_space<hbm>>) target_semaphore(%run_scoped3A : memref<!tpu.dma_semaphore, #tpu.memory_space<semaphore_mem>>)
      %dma_wait3A = arith.constant 0 : i32
      %dma_wait3A_18 = tpu.memref_slice %arg3[%add3A, %dma_wait3A] : memref<32x10240xf32, #tpu.memory_space<hbm>> -> memref<1x10240xf32, #tpu.memory_space<hbm>>
      %dma_wait3A_19 = tpu.memref_squeeze %dma_wait3A_18 : memref<1x10240xf32, #tpu.memory_space<hbm>> -> memref<10240xf32, #tpu.memory_space<hbm>>
      %dma_wait3A_20 = arith.constant 0 : i32
      %dma_wait3A_21 = tpu.memref_slice %arg3[%add3A, %dma_wait3A_20] : memref<32x10240xf32, #tpu.memory_space<hbm>> -> memref<1x10240xf32, #tpu.memory_space<hbm>>
      %dma_wait3A_22 = tpu.memref_squeeze %dma_wait3A_21 : memref<1x10240xf32, #tpu.memory_space<hbm>> -> memref<10240xf32, #tpu.memory_space<hbm>>
      tpu.wait_dma2 semaphore(%run_scoped3A : memref<!tpu.dma_semaphore, #tpu.memory_space<semaphore_mem>>) src(%arg5 : memref<10240xf32, #tpu.memory_space<vmem>>) dst(%dma_wait3A_22 : memref<10240xf32, #tpu.memory_space<hbm>>)
      tpu.yield
    }) : () -> ()
    return
  }
}

#map = affine_map<(d0, d1) -> (0, 0)>
#map1 = affine_map<(d0, d1) -> (0, 0, 0, 0)>
#map2 = affine_map<(d0, d1) -> (0, 0, 0)>
module attributes {stable_mosaic.version = 14 : i64} {
  func.func @_sc_segsum(%arg0: i32, %arg1: i32, %arg2: memref<10240x128xf32, #tpu.memory_space<hbm>>, %arg3: memref<32x2x80x128xi32, #tpu.memory_space<hbm>>, %arg4: memref<2x10240x128xf32, #tpu.memory_space<hbm>>, %arg5: memref<2x80x128xi32, #tpu.memory_space<vmem>>, %arg6: memref<128x128xf32, #tpu.memory_space<vmem>>, %arg7: memref<10240x128xf32, #tpu.memory_space<vmem_shared>>, %arg8: memref<!tpu.dma_semaphore, #tpu.memory_space<semaphore_mem>>) attributes {dimension_semantics = [#tpu.dimension_semantics<core_parallel>, #tpu.dimension_semantics<subcore_parallel>], iteration_bounds = array<i64: 2, 16>, scalar_prefetch = 0 : i64, scratch_operands = 4 : i64, tpu.core_type = #tpu.core_type<sc_vector_subcore>, window_params = [{transform_indices = #map}, {transform_indices = #map1}, {transform_indices = #map2}]} {
    %mul3A = arith.constant 2 : i32
    %mul3A_0 = arith.muli %arg1, %mul3A : i32
    %add3A = arith.addi %mul3A_0, %arg0 : i32
    %mul3A_1 = arith.constant 640 : i32
    %mul3A_2 = arith.muli %arg1, %mul3A_1 : i32
    "tpu.region"() ({
      %run_scoped3A = tpu.sem_alloc : memref<!tpu.dma_semaphore, #tpu.memory_space<semaphore_mem>>
      %dma_start3A = arith.constant 0 : i32
      %dma_start3A_24 = arith.constant 0 : i32
      %dma_start3A_25 = arith.constant 0 : i32
      %dma_start3A_26 = tpu.memref_slice %arg3[%add3A, %dma_start3A, %dma_start3A_24, %dma_start3A_25] : memref<32x2x80x128xi32, #tpu.memory_space<hbm>> -> memref<1x2x80x128xi32, #tpu.memory_space<hbm>>
      %dma_start3A_27 = tpu.memref_squeeze %dma_start3A_26 : memref<1x2x80x128xi32, #tpu.memory_space<hbm>> -> memref<2x80x128xi32, #tpu.memory_space<hbm>>
      %dma_start3A_28 = arith.constant 0 : i32
      %dma_start3A_29 = arith.constant 0 : i32
      %dma_start3A_30 = arith.constant 0 : i32
      %dma_start3A_31 = tpu.memref_slice %arg3[%add3A, %dma_start3A_28, %dma_start3A_29, %dma_start3A_30] : memref<32x2x80x128xi32, #tpu.memory_space<hbm>> -> memref<1x2x80x128xi32, #tpu.memory_space<hbm>>
      %dma_start3A_32 = tpu.memref_squeeze %dma_start3A_31 : memref<1x2x80x128xi32, #tpu.memory_space<hbm>> -> memref<2x80x128xi32, #tpu.memory_space<hbm>>
      tpu.enqueue_dma source(%dma_start3A_32 : memref<2x80x128xi32, #tpu.memory_space<hbm>>) target(%arg5 : memref<2x80x128xi32, #tpu.memory_space<vmem>>) target_semaphore(%run_scoped3A : memref<!tpu.dma_semaphore, #tpu.memory_space<semaphore_mem>>)
      %dma_wait3A = arith.constant 0 : i32
      %dma_wait3A_33 = arith.constant 0 : i32
      %dma_wait3A_34 = arith.constant 0 : i32
      %dma_wait3A_35 = tpu.memref_slice %arg3[%add3A, %dma_wait3A, %dma_wait3A_33, %dma_wait3A_34] : memref<32x2x80x128xi32, #tpu.memory_space<hbm>> -> memref<1x2x80x128xi32, #tpu.memory_space<hbm>>
      %dma_wait3A_36 = tpu.memref_squeeze %dma_wait3A_35 : memref<1x2x80x128xi32, #tpu.memory_space<hbm>> -> memref<2x80x128xi32, #tpu.memory_space<hbm>>
      %dma_wait3A_37 = arith.constant 0 : i32
      %dma_wait3A_38 = arith.constant 0 : i32
      %dma_wait3A_39 = arith.constant 0 : i32
      %dma_wait3A_40 = tpu.memref_slice %arg3[%add3A, %dma_wait3A_37, %dma_wait3A_38, %dma_wait3A_39] : memref<32x2x80x128xi32, #tpu.memory_space<hbm>> -> memref<1x2x80x128xi32, #tpu.memory_space<hbm>>
      %dma_wait3A_41 = tpu.memref_squeeze %dma_wait3A_40 : memref<1x2x80x128xi32, #tpu.memory_space<hbm>> -> memref<2x80x128xi32, #tpu.memory_space<hbm>>
      tpu.wait_dma2 semaphore(%run_scoped3A : memref<!tpu.dma_semaphore, #tpu.memory_space<semaphore_mem>>) src(%dma_wait3A_41 : memref<2x80x128xi32, #tpu.memory_space<hbm>>) dst(%arg5 : memref<2x80x128xi32, #tpu.memory_space<vmem>>)
      tpu.yield
    }) : () -> ()
    %broadcast_in_dim3A = arith.constant 0.000000e+00 : f32
    %broadcast_in_dim3A_3 = vector.broadcast %broadcast_in_dim3A : f32 to vector<16xf32>
    %scan3A = arith.constant 0 : i32
    %scan3A_4 = arith.constant 128 : i32
    %scan3A_5 = arith.addi %scan3A, %scan3A_4 : i32
    %scan3A_6 = arith.constant 1 : i32
    scf.for %scan3A_24 = %scan3A to %scan3A_5 step %scan3A_6  : i32 {
      %mul3A_25 = arith.constant 1 : i32
      %mul3A_26 = arith.muli %scan3A_24, %mul3A_25 : i32
      %add3A_27 = arith.constant 0 : i32
      %add3A_28 = arith.addi %add3A_27, %mul3A_26 : i32
      %scan3A_29 = arith.constant 0 : i32
      %scan3A_30 = arith.constant 8 : i32
      %scan3A_31 = arith.addi %scan3A_29, %scan3A_30 : i32
      %scan3A_32 = arith.constant 1 : i32
      scf.for %scan3A_34 = %scan3A_29 to %scan3A_31 step %scan3A_32  : i32 {
        %mul3A_35 = arith.constant 1 : i32
        %mul3A_36 = arith.muli %scan3A_34, %mul3A_35 : i32
        %add3A_37 = arith.constant 0 : i32
        %add3A_38 = arith.addi %add3A_37, %mul3A_36 : i32
        %mul3A_39 = arith.constant 16 : i32
        %mul3A_40 = arith.muli %add3A_38, %mul3A_39 : i32
        %swap3A = arith.index_cast %add3A_28 : i32 to index
        %swap3A_41 = arith.index_cast %mul3A_40 : i32 to index
        %swap3A_42 = tpu.vector_load %arg6[%swap3A, %swap3A_41] {strides = array<i32>} : memref<128x128xf32, #tpu.memory_space<vmem>>, vector<1x16xf32>,
        %swap3A_43 = vector.shape_cast %swap3A_42 : vector<1x16xf32> to vector<16xf32>
        %swap3A_44 = vector.shape_cast %broadcast_in_dim3A_3 : vector<16xf32> to vector<1x16xf32>
        tpu.vector_store %arg6[%swap3A, %swap3A_41], %swap3A_44 {strides = array<i32>} : memref<128x128xf32, #tpu.memory_space<vmem>>, vector<1x16xf32>,
      }
      %scan3A_33 = arith.constant 8 : i32
    }
    %scan3A_7 = arith.constant 128 : i32
    %scan3A_8 = arith.constant 0 : i32
    %scan3A_9 = arith.constant 5 : i32
    %scan3A_10 = arith.addi %scan3A_8, %scan3A_9 : i32
    %scan3A_11 = arith.constant 1 : i32
    scf.for %scan3A_24 = %scan3A_8 to %scan3A_10 step %scan3A_11  : i32 {
      %mul3A_25 = arith.constant 1 : i32
      %mul3A_26 = arith.muli %scan3A_24, %mul3A_25 : i32
      %add3A_27 = arith.constant 0 : i32
      %add3A_28 = arith.addi %add3A_27, %mul3A_26 : i32
      %mul3A_29 = arith.constant 128 : i32
      %mul3A_30 = arith.muli %add3A_28, %mul3A_29 : i32
      %add3A_31 = arith.addi %mul3A_2, %mul3A_30 : i32
      "tpu.region"() ({
        %run_scoped3A = tpu.sem_alloc : memref<!tpu.dma_semaphore, #tpu.memory_space<semaphore_mem>>
        %dma_start3A = arith.constant 0 : i32
        %dma_start3A_32 = tpu.memref_slice %arg7[%add3A_31, %dma_start3A] : memref<10240x128xf32, #tpu.memory_space<vmem_shared>> -> memref<128x128xf32, #tpu.memory_space<vmem_shared>>
        %dma_start3A_33 = arith.constant 0 : i32
        %dma_start3A_34 = tpu.memref_slice %arg7[%add3A_31, %dma_start3A_33] : memref<10240x128xf32, #tpu.memory_space<vmem_shared>> -> memref<128x128xf32, #tpu.memory_space<vmem_shared>>
        tpu.enqueue_dma source(%arg6 : memref<128x128xf32, #tpu.memory_space<vmem>>) target(%dma_start3A_34 : memref<128x128xf32, #tpu.memory_space<vmem_shared>>) target_semaphore(%run_scoped3A : memref<!tpu.dma_semaphore, #tpu.memory_space<semaphore_mem>>)
        %dma_wait3A = arith.constant 0 : i32
        %dma_wait3A_35 = tpu.memref_slice %arg7[%add3A_31, %dma_wait3A] : memref<10240x128xf32, #tpu.memory_space<vmem_shared>> -> memref<128x128xf32, #tpu.memory_space<vmem_shared>>
        %dma_wait3A_36 = arith.constant 0 : i32
        %dma_wait3A_37 = tpu.memref_slice %arg7[%add3A_31, %dma_wait3A_36] : memref<10240x128xf32, #tpu.memory_space<vmem_shared>> -> memref<128x128xf32, #tpu.memory_space<vmem_shared>>
        tpu.wait_dma2 semaphore(%run_scoped3A : memref<!tpu.dma_semaphore, #tpu.memory_space<semaphore_mem>>) src(%arg6 : memref<128x128xf32, #tpu.memory_space<vmem>>) dst(%dma_wait3A_37 : memref<128x128xf32, #tpu.memory_space<vmem_shared>>)
        tpu.yield
      }) : () -> ()
    }
    %scan3A_12 = arith.constant 5 : i32
    %barrier3A = arith.constant 0 : index
    tpu.barrier barrier_id(%barrier3A)
    %scan3A_13 = arith.constant 0 : i32
    %scan3A_14 = arith.constant 160 : i32
    %scan3A_15 = arith.addi %scan3A_13, %scan3A_14 : i32
    %scan3A_16 = arith.constant 1 : i32
    scf.for %scan3A_24 = %scan3A_13 to %scan3A_15 step %scan3A_16  : i32 {
      %mul3A_25 = arith.constant 1 : i32
      %mul3A_26 = arith.muli %scan3A_24, %mul3A_25 : i32
      %add3A_27 = arith.constant 0 : i32
      %add3A_28 = arith.addi %add3A_27, %mul3A_26 : i32
      %div3A = arith.constant 2 : i32
      %div3A_29 = arith.divsi %add3A_28, %div3A : i32
      %rem3A = arith.constant 2 : i32
      %rem3A_30 = arith.remsi %add3A_28, %rem3A : i32
      %mul3A_31 = arith.constant 64 : i32
      %mul3A_32 = arith.muli %rem3A_30, %mul3A_31 : i32
      %sub3A = arith.constant 64 : i32
      %sub3A_33 = arith.subi %sub3A, %mul3A_32 : i32
      %dma_start3A = arith.constant 0 : i32
      %dma_start3A_34 = arith.constant 0 : i32
      %dma_start3A_35 = tpu.memref_slice %arg6[%mul3A_32, %dma_start3A_34] : memref<128x128xf32, #tpu.memory_space<vmem>> -> memref<64x128xf32, #tpu.memory_space<vmem>>
      %dma_start3A_36 = tpu.memref_slice %arg5[%dma_start3A, %div3A_29, %mul3A_32] : memref<2x80x128xi32, #tpu.memory_space<vmem>> -> memref<1x1x64xi32, #tpu.memory_space<vmem>>
      %dma_start3A_37 = tpu.memref_squeeze %dma_start3A_36 : memref<1x1x64xi32, #tpu.memory_space<vmem>> -> memref<64xi32, #tpu.memory_space<vmem>>
      %dma_start3A_38 = arith.constant 0 : i32
      %dma_start3A_39 = arith.constant 0 : i32
      %dma_start3A_40 = tpu.memref_slice %arg2[%dma_start3A_38, %dma_start3A_39] : memref<10240x128xf32, #tpu.memory_space<hbm>> -> memref<10240x128xf32, #tpu.memory_space<hbm>>
      tpu.enqueue_indirect_dma source(%dma_start3A_40 : memref<10240x128xf32, #tpu.memory_space<hbm>>) target(%dma_start3A_35 : memref<64x128xf32, #tpu.memory_space<vmem>>) offsets(%dma_start3A_37 : memref<64xi32, #tpu.memory_space<vmem>>) semaphore(%arg8 : memref<!tpu.dma_semaphore, #tpu.memory_space<semaphore_mem>>)
      %run_scoped3A = arith.constant 1 : i32
      "tpu.region"() ({
        %run_scoped3A_48 = tpu.sem_alloc : memref<!tpu.dma_semaphore, #tpu.memory_space<semaphore_mem>>
        %dma_start3A_49 = arith.constant 0 : i32
        %dma_start3A_50 = tpu.memref_slice %arg6[%sub3A_33, %dma_start3A_49] : memref<128x128xf32, #tpu.memory_space<vmem>> -> memref<64x128xf32, #tpu.memory_space<vmem>>
        %dma_start3A_51 = tpu.memref_slice %arg5[%run_scoped3A, %div3A_29, %mul3A_32] : memref<2x80x128xi32, #tpu.memory_space<vmem>> -> memref<1x1x64xi32, #tpu.memory_space<vmem>>
        %dma_start3A_52 = tpu.memref_squeeze %dma_start3A_51 : memref<1x1x64xi32, #tpu.memory_space<vmem>> -> memref<64xi32, #tpu.memory_space<vmem>>
        %dma_start3A_53 = arith.constant 0 : i32
        %dma_start3A_54 = arith.constant 0 : i32
        %dma_start3A_55 = tpu.memref_slice %arg7[%dma_start3A_53, %dma_start3A_54] : memref<10240x128xf32, #tpu.memory_space<vmem_shared>> -> memref<10240x128xf32, #tpu.memory_space<vmem_shared>>
        tpu.enqueue_indirect_dma source(%dma_start3A_50 : memref<64x128xf32, #tpu.memory_space<vmem>>) target(%dma_start3A_55 : memref<10240x128xf32, #tpu.memory_space<vmem_shared>>) offsets(%dma_start3A_52 : memref<64xi32, #tpu.memory_space<vmem>>) semaphore(%run_scoped3A_48 : memref<!tpu.dma_semaphore, #tpu.memory_space<semaphore_mem>>) {add = true}
        %dma_wait3A_56 = arith.constant 0 : i32
        %dma_wait3A_57 = tpu.memref_slice %arg6[%sub3A_33, %dma_wait3A_56] : memref<128x128xf32, #tpu.memory_space<vmem>> -> memref<64x128xf32, #tpu.memory_space<vmem>>
        %dma_wait3A_58 = tpu.memref_slice %arg5[%run_scoped3A, %div3A_29, %mul3A_32] : memref<2x80x128xi32, #tpu.memory_space<vmem>> -> memref<1x1x64xi32, #tpu.memory_space<vmem>>
        %dma_wait3A_59 = tpu.memref_squeeze %dma_wait3A_58 : memref<1x1x64xi32, #tpu.memory_space<vmem>> -> memref<64xi32, #tpu.memory_space<vmem>>
        %dma_wait3A_60 = arith.constant 0 : i32
        %dma_wait3A_61 = arith.constant 0 : i32
        %dma_wait3A_62 = tpu.memref_slice %arg7[%dma_wait3A_60, %dma_wait3A_61] : memref<10240x128xf32, #tpu.memory_space<vmem_shared>> -> memref<10240x128xf32, #tpu.memory_space<vmem_shared>>
        tpu.wait_indirect_dma semaphore(%run_scoped3A_48 : memref<!tpu.dma_semaphore, #tpu.memory_space<semaphore_mem>>) src(%dma_wait3A_57 : memref<64x128xf32, #tpu.memory_space<vmem>>) dst(%dma_wait3A_62 : memref<10240x128xf32, #tpu.memory_space<vmem_shared>>)
        tpu.yield
      }) : () -> ()
      %dma_wait3A = arith.constant 0 : i32
      %dma_wait3A_41 = arith.constant 0 : i32
      %dma_wait3A_42 = tpu.memref_slice %arg6[%mul3A_32, %dma_wait3A_41] : memref<128x128xf32, #tpu.memory_space<vmem>> -> memref<64x128xf32, #tpu.memory_space<vmem>>
      %dma_wait3A_43 = tpu.memref_slice %arg5[%dma_wait3A, %div3A_29, %mul3A_32] : memref<2x80x128xi32, #tpu.memory_space<vmem>> -> memref<1x1x64xi32, #tpu.memory_space<vmem>>
      %dma_wait3A_44 = tpu.memref_squeeze %dma_wait3A_43 : memref<1x1x64xi32, #tpu.memory_space<vmem>> -> memref<64xi32, #tpu.memory_space<vmem>>
      %dma_wait3A_45 = arith.constant 0 : i32
      %dma_wait3A_46 = arith.constant 0 : i32
      %dma_wait3A_47 = tpu.memref_slice %arg2[%dma_wait3A_45, %dma_wait3A_46] : memref<10240x128xf32, #tpu.memory_space<hbm>> -> memref<10240x128xf32, #tpu.memory_space<hbm>>
      tpu.wait_indirect_dma semaphore(%arg8 : memref<!tpu.dma_semaphore, #tpu.memory_space<semaphore_mem>>) src(%dma_wait3A_47 : memref<10240x128xf32, #tpu.memory_space<hbm>>) dst(%dma_wait3A_42 : memref<64x128xf32, #tpu.memory_space<vmem>>)
    }
    %scan3A_17 = arith.constant 160 : i32
    %barrier3A_18 = arith.constant 0 : index
    tpu.barrier barrier_id(%barrier3A_18)
    %scan3A_19 = arith.constant 0 : i32
    %scan3A_20 = arith.constant 5 : i32
    %scan3A_21 = arith.addi %scan3A_19, %scan3A_20 : i32
    %scan3A_22 = arith.constant 1 : i32
    scf.for %scan3A_24 = %scan3A_19 to %scan3A_21 step %scan3A_22  : i32 {
      %mul3A_25 = arith.constant 1 : i32
      %mul3A_26 = arith.muli %scan3A_24, %mul3A_25 : i32
      %add3A_27 = arith.constant 0 : i32
      %add3A_28 = arith.addi %add3A_27, %mul3A_26 : i32
      %mul3A_29 = arith.constant 128 : i32
      %mul3A_30 = arith.muli %add3A_28, %mul3A_29 : i32
      %add3A_31 = arith.addi %mul3A_2, %mul3A_30 : i32
      "tpu.region"() ({
        %run_scoped3A = tpu.sem_alloc : memref<!tpu.dma_semaphore, #tpu.memory_space<semaphore_mem>>
        %dma_start3A = arith.constant 0 : i32
        %dma_start3A_32 = tpu.memref_slice %arg7[%add3A_31, %dma_start3A] : memref<10240x128xf32, #tpu.memory_space<vmem_shared>> -> memref<128x128xf32, #tpu.memory_space<vmem_shared>>
        %dma_start3A_33 = arith.constant 0 : i32
        %dma_start3A_34 = tpu.memref_slice %arg7[%add3A_31, %dma_start3A_33] : memref<10240x128xf32, #tpu.memory_space<vmem_shared>> -> memref<128x128xf32, #tpu.memory_space<vmem_shared>>
        tpu.enqueue_dma source(%dma_start3A_34 : memref<128x128xf32, #tpu.memory_space<vmem_shared>>) target(%arg6 : memref<128x128xf32, #tpu.memory_space<vmem>>) target_semaphore(%run_scoped3A : memref<!tpu.dma_semaphore, #tpu.memory_space<semaphore_mem>>)
        %dma_wait3A = arith.constant 0 : i32
        %dma_wait3A_35 = tpu.memref_slice %arg7[%add3A_31, %dma_wait3A] : memref<10240x128xf32, #tpu.memory_space<vmem_shared>> -> memref<128x128xf32, #tpu.memory_space<vmem_shared>>
        %dma_wait3A_36 = arith.constant 0 : i32
        %dma_wait3A_37 = tpu.memref_slice %arg7[%add3A_31, %dma_wait3A_36] : memref<10240x128xf32, #tpu.memory_space<vmem_shared>> -> memref<128x128xf32, #tpu.memory_space<vmem_shared>>
        tpu.wait_dma2 semaphore(%run_scoped3A : memref<!tpu.dma_semaphore, #tpu.memory_space<semaphore_mem>>) src(%dma_wait3A_37 : memref<128x128xf32, #tpu.memory_space<vmem_shared>>) dst(%arg6 : memref<128x128xf32, #tpu.memory_space<vmem>>)
        tpu.yield
      }) : () -> ()
      "tpu.region"() ({
        %run_scoped3A = tpu.sem_alloc : memref<!tpu.dma_semaphore, #tpu.memory_space<semaphore_mem>>
        %dma_start3A = arith.constant 0 : i32
        %dma_start3A_32 = tpu.memref_slice %arg4[%arg0, %add3A_31, %dma_start3A] : memref<2x10240x128xf32, #tpu.memory_space<hbm>> -> memref<1x128x128xf32, #tpu.memory_space<hbm>>
        %dma_start3A_33 = tpu.memref_squeeze %dma_start3A_32 : memref<1x128x128xf32, #tpu.memory_space<hbm>> -> memref<128x128xf32, #tpu.memory_space<hbm>>
        %dma_start3A_34 = arith.constant 0 : i32
        %dma_start3A_35 = tpu.memref_slice %arg4[%arg0, %add3A_31, %dma_start3A_34] : memref<2x10240x128xf32, #tpu.memory_space<hbm>> -> memref<1x128x128xf32, #tpu.memory_space<hbm>>
        %dma_start3A_36 = tpu.memref_squeeze %dma_start3A_35 : memref<1x128x128xf32, #tpu.memory_space<hbm>> -> memref<128x128xf32, #tpu.memory_space<hbm>>
        tpu.enqueue_dma source(%arg6 : memref<128x128xf32, #tpu.memory_space<vmem>>) target(%dma_start3A_36 : memref<128x128xf32, #tpu.memory_space<hbm>>) target_semaphore(%run_scoped3A : memref<!tpu.dma_semaphore, #tpu.memory_space<semaphore_mem>>)
        %dma_wait3A = arith.constant 0 : i32
        %dma_wait3A_37 = tpu.memref_slice %arg4[%arg0, %add3A_31, %dma_wait3A] : memref<2x10240x128xf32, #tpu.memory_space<hbm>> -> memref<1x128x128xf32, #tpu.memory_space<hbm>>
        %dma_wait3A_38 = tpu.memref_squeeze %dma_wait3A_37 : memref<1x128x128xf32, #tpu.memory_space<hbm>> -> memref<128x128xf32, #tpu.memory_space<hbm>>
        %dma_wait3A_39 = arith.constant 0 : i32
        %dma_wait3A_40 = tpu.memref_slice %arg4[%arg0, %add3A_31, %dma_wait3A_39] : memref<2x10240x128xf32, #tpu.memory_space<hbm>> -> memref<1x128x128xf32, #tpu.memory_space<hbm>>
        %dma_wait3A_41 = tpu.memref_squeeze %dma_wait3A_40 : memref<1x128x128xf32, #tpu.memory_space<hbm>> -> memref<128x128xf32, #tpu.memory_space<hbm>>
        tpu.wait_dma2 semaphore(%run_scoped3A : memref<!tpu.dma_semaphore, #tpu.memory_space<semaphore_mem>>) src(%arg6 : memref<128x128xf32, #tpu.memory_space<vmem>>) dst(%dma_wait3A_41 : memref<128x128xf32, #tpu.memory_space<hbm>>)
        tpu.yield
      }) : () -> ()
    }
    %scan3A_23 = arith.constant 5 : i32
    return
  }
}

module attributes {stable_mosaic.version = 14 : i64} {
  func.func @_tc_mm_body(%arg0: i32, %arg1: memref<2048x128xf32, #tpu.memory_space<vmem>>, %arg2: memref<128x128xf32, #tpu.memory_space<vmem>>, %arg3: memref<2048x128xf32, #tpu.memory_space<vmem>>) attributes {dimension_semantics = [#tpu.dimension_semantics<arbitrary>], iteration_bounds = array<i64: 5>, scalar_prefetch = 0 : i64, scratch_operands = 0 : i64, tpu.core_type = #tpu.core_type<tc>, window_params = [{transform_indices = @transform_0, window_bounds = array<i64: 2048, 128>}, {pipeline_mode = #tpu.pipeline_mode<synchronous>, transform_indices = @transform_1, window_bounds = array<i64: 128, 128>}, {transform_indices = @transform_2, window_bounds = array<i64: 2048, 128>}]} {
    %get3A = arith.constant 0 : index
    %get3A_0 = arith.constant 0 : index
    %get3A_1 = vector.load %arg1[%get3A, %get3A_0] : memref<2048x128xf32, #tpu.memory_space<vmem>>, vector<2048x128xf32>
    %get3A_2 = arith.constant 0 : index
    %get3A_3 = arith.constant 0 : index
    %get3A_4 = vector.load %arg2[%get3A_2, %get3A_3] : memref<128x128xf32, #tpu.memory_space<vmem>>, vector<128x128xf32>
    %dot_general3A = arith.constant dense<0.000000e+00> : vector<2048x128xf32>
    %dot_general3A_5 = tpu.matmul %get3A_1, %get3A_4, %dot_general3A {dimension_numbers = #tpu.dot_dimension_numbers<[1], [0], [0], [1], [0, 0, 1, 1], [], []>, precision = #tpu.contract_precision<fp32>, transpose_lhs_hint = false} : vector<2048x128xf32>, vector<128x128xf32>, vector<2048x128xf32> -> vector<2048x128xf32>
    %swap3A = arith.constant 0 : index
    %swap3A_6 = arith.constant 0 : index
    %swap3A_7 = vector.load %arg3[%swap3A, %swap3A_6] : memref<2048x128xf32, #tpu.memory_space<vmem>>, vector<2048x128xf32>
    tpu.vector_store %arg3[%swap3A, %swap3A_6], %dot_general3A_5 {strides = array<i32>} : memref<2048x128xf32, #tpu.memory_space<vmem>>, vector<2048x128xf32>,
    return
  }
  func.func @transform_0(%arg0: i32) -> (i32, i32) {
    %c0_i32 = arith.constant 0 : i32
    %c0_i32_0 = arith.constant 0 : i32
    return %arg0, %c0_i32 : i32, i32
  }
  func.func @transform_1(%arg0: i32) -> (i32, i32) {
    %c0_i32 = arith.constant 0 : i32
    %c0_i32_0 = arith.constant 0 : i32
    %c0_i32_1 = arith.constant 0 : i32
    return %c0_i32, %c0_i32_0 : i32, i32
  }
  func.func @transform_2(%arg0: i32) -> (i32, i32) {
    %c0_i32 = arith.constant 0 : i32
    %c0_i32_0 = arith.constant 0 : i32
    return %arg0, %c0_i32 : i32, i32
  }
}

module attributes {stable_mosaic.version = 14 : i64} {
  func.func @_tc_a_body(%arg0: i32, %arg1: memref<32x2048xf32, #tpu.memory_space<vmem>>, %arg2: memref<2048x128xf32, #tpu.memory_space<vmem>>, %arg3: memref<2048x128xf32, #tpu.memory_space<vmem>>, %arg4: memref<2048x1xf32, #tpu.memory_space<vmem>>) attributes {dimension_semantics = [#tpu.dimension_semantics<arbitrary>], iteration_bounds = array<i64: 5>, scalar_prefetch = 0 : i64, scratch_operands = 0 : i64, tpu.core_type = #tpu.core_type<tc>, window_params = [{transform_indices = @transform_0, window_bounds = array<i64: 32, 2048>}, {transform_indices = @transform_1, window_bounds = array<i64: 2048, 128>}, {transform_indices = @transform_2, window_bounds = array<i64: 2048, 128>}, {transform_indices = @transform_3, window_bounds = array<i64: 2048, 1>}]} {
    %broadcast_in_dim3A = arith.constant 1.000000e+00 : f32
    %broadcast_in_dim3A_0 = vector.broadcast %broadcast_in_dim3A : f32 to vector<32x1xf32>
    %get3A = arith.constant 0 : index
    %get3A_1 = arith.constant 0 : index
    %get3A_2 = vector.load %arg1[%get3A, %get3A_1] : memref<32x2048xf32, #tpu.memory_space<vmem>>, vector<32x2048xf32>
    %dot_general3A = arith.constant dense<0.000000e+00> : vector<2048x1xf32>
    %dot_general3A_3 = tpu.matmul %get3A_2, %broadcast_in_dim3A_0, %dot_general3A {dimension_numbers = #tpu.dot_dimension_numbers<[0], [0], [1], [1], [0, 1, 1, 1], [], []>, transpose_lhs_hint = false} : vector<32x2048xf32>, vector<32x1xf32>, vector<2048x1xf32> -> vector<2048x1xf32>
    %add3A = arith.constant 1.000000e+00 : f32
    %add3A_4 = vector.broadcast %add3A : f32 to vector<2048x1xf32>
    %add3A_5 = arith.addf %dot_general3A_3, %add3A_4 : vector<2048x1xf32>
    %rsqrt3A = math.rsqrt %add3A_5 : vector<2048x1xf32>
    %get3A_6 = arith.constant 0 : index
    %get3A_7 = arith.constant 0 : index
    %get3A_8 = vector.load %arg2[%get3A_6, %get3A_7] : memref<2048x128xf32, #tpu.memory_space<vmem>>, vector<2048x128xf32>
    %mul3A = vector.broadcast %rsqrt3A : vector<2048x1xf32> to vector<2048x128xf32>
    %mul3A_9 = arith.mulf %get3A_8, %mul3A : vector<2048x128xf32>
    %swap3A = arith.constant 0 : index
    %swap3A_10 = arith.constant 0 : index
    %swap3A_11 = vector.load %arg3[%swap3A, %swap3A_10] : memref<2048x128xf32, #tpu.memory_space<vmem>>, vector<2048x128xf32>
    tpu.vector_store %arg3[%swap3A, %swap3A_10], %mul3A_9 {strides = array<i32>} : memref<2048x128xf32, #tpu.memory_space<vmem>>, vector<2048x128xf32>,
    %swap3A_12 = arith.constant 0 : index
    %swap3A_13 = arith.constant 0 : index
    %swap3A_14 = vector.load %arg4[%swap3A_12, %swap3A_13] : memref<2048x1xf32, #tpu.memory_space<vmem>>, vector<2048x1xf32>
    tpu.vector_store %arg4[%swap3A_12, %swap3A_13], %dot_general3A_3 {strides = array<i32>} : memref<2048x1xf32, #tpu.memory_space<vmem>>, vector<2048x1xf32>,
    return
  }
  func.func @transform_0(%arg0: i32) -> (i32, i32) {
    %c0_i32 = arith.constant 0 : i32
    %c0_i32_0 = arith.constant 0 : i32
    return %c0_i32, %arg0 : i32, i32
  }
  func.func @transform_1(%arg0: i32) -> (i32, i32) {
    %c0_i32 = arith.constant 0 : i32
    %c0_i32_0 = arith.constant 0 : i32
    return %arg0, %c0_i32 : i32, i32
  }
  func.func @transform_2(%arg0: i32) -> (i32, i32) {
    %c0_i32 = arith.constant 0 : i32
    %c0_i32_0 = arith.constant 0 : i32
    return %arg0, %c0_i32 : i32, i32
  }
  func.func @transform_3(%arg0: i32) -> (i32, i32) {
    %c0_i32 = arith.constant 0 : i32
    %c0_i32_0 = arith.constant 0 : i32
    return %arg0, %c0_i32 : i32, i32
  }
}

module attributes {stable_mosaic.version = 14 : i64} {
  func.func @_tc_b_body(%arg0: i32, %arg1: i32, %arg2: memref<2x2048x128xf32, #tpu.memory_space<vmem>>, %arg3: memref<2048x128xf32, #tpu.memory_space<vmem>>, %arg4: memref<2048x1xf32, #tpu.memory_space<vmem>>, %arg5: memref<128xf32, #tpu.memory_space<vmem>>, %arg6: memref<128xf32, #tpu.memory_space<vmem>>, %arg7: memref<128xf32, #tpu.memory_space<vmem>>, %arg8: memref<128x64xf32, #tpu.memory_space<vmem>>, %arg9: memref<2048x128xf32, #tpu.memory_space<vmem>>, %arg10: memref<2048x64xf32, #tpu.memory_space<vmem>>, %arg11: memref<2048x1xf32, #tpu.memory_space<vmem>>, %arg12: memref<2048x1xf32, #tpu.memory_space<vmem>>, %arg13: memref<10240x128xf32, #tpu.memory_space<vmem>>, %arg14: memref<2x5xf32, #tpu.memory_space<smem>>) attributes {dimension_semantics = [#tpu.dimension_semantics<arbitrary>, #tpu.dimension_semantics<arbitrary>], iteration_bounds = array<i64: 2, 5>, scalar_prefetch = 0 : i64, scratch_operands = 2 : i64, tpu.core_type = #tpu.core_type<tc>, window_params = [{transform_indices = @transform_0, window_bounds = array<i64: 2, 2048, 128>}, {transform_indices = @transform_1, window_bounds = array<i64: 2048, 128>}, {transform_indices = @transform_2, window_bounds = array<i64: 2048, 1>}, {pipeline_mode = #tpu.pipeline_mode<synchronous>, transform_indices = @transform_3, window_bounds = array<i64: 128>}, {pipeline_mode = #tpu.pipeline_mode<synchronous>, transform_indices = @transform_4, window_bounds = array<i64: 128>}, {pipeline_mode = #tpu.pipeline_mode<synchronous>, transform_indices = @transform_5, window_bounds = array<i64: 128>}, {pipeline_mode = #tpu.pipeline_mode<synchronous>, transform_indices = @transform_6, window_bounds = array<i64: 128, 64>}, {transform_indices = @transform_7, window_bounds = array<i64: 2048, 128>}, {transform_indices = @transform_8, window_bounds = array<i64: 2048, 64>}, {transform_indices = @transform_9, window_bounds = array<i64: 2048, 1>}, {transform_indices = @transform_10, window_bounds = array<i64: 2048, 1>}]} {
    %mul3A = arith.constant 2048 : i32
    %mul3A_0 = arith.muli %arg1, %mul3A : i32
    %iota3A = tpu.iota {dimensions = array<i32: 0>} : vector<2048x1xi32>
    %add3A = vector.broadcast %mul3A_0 : i32 to vector<2048x1xi32>
    %add3A_1 = arith.addi %add3A, %iota3A : vector<2048x1xi32>
    %lt3A = arith.constant 10000 : i32
    %lt3A_2 = vector.broadcast %lt3A : i32 to vector<2048x1xi32>
    %lt3A_3 = arith.cmpi slt, %add3A_1, %lt3A_2 : vector<2048x1xi32>
    %get3A = arith.constant 0 : index
    %get3A_4 = arith.constant 0 : index
    %get3A_5 = vector.load %arg4[%get3A, %get3A_4] : memref<2048x1xf32, #tpu.memory_space<vmem>>, vector<2048x1xf32>
    %eq3A = arith.constant 0 : i32
    %eq3A_6 = arith.cmpi eq, %arg0, %eq3A : i32
    %convert_element_type3A = arith.extui %eq3A_6 : i1 to i32
    %cond3A = arith.constant 0 : i32
    %cond3A_7 = arith.cmpi ne, %convert_element_type3A, %cond3A : i32
    scf.if %cond3A_7 {
      %add3A_13 = arith.constant 1.000000e+00 : f32
      %add3A_14 = vector.broadcast %add3A_13 : f32 to vector<2048x1xf32>
      %add3A_15 = arith.addf %get3A_5, %add3A_14 : vector<2048x1xf32>
      %rsqrt3A = math.rsqrt %add3A_15 : vector<2048x1xf32>
      %get3A_16 = arith.constant 0 : index
      %get3A_17 = arith.constant 0 : index
      %get3A_18 = arith.constant 0 : index
      %get3A_19 = vector.load %arg2[%get3A_16, %get3A_17, %get3A_18] : memref<2x2048x128xf32, #tpu.memory_space<vmem>>, vector<1x2048x128xf32>
      %get3A_20 = vector.shape_cast %get3A_19 : vector<1x2048x128xf32> to vector<2048x128xf32>
      %get3A_21 = arith.constant 1 : index
      %get3A_22 = arith.constant 0 : index
      %get3A_23 = arith.constant 0 : index
      %get3A_24 = vector.load %arg2[%get3A_21, %get3A_22, %get3A_23] : memref<2x2048x128xf32, #tpu.memory_space<vmem>>, vector<1x2048x128xf32>
      %get3A_25 = vector.shape_cast %get3A_24 : vector<1x2048x128xf32> to vector<2048x128xf32>
      %add3A_26 = arith.addf %get3A_20, %get3A_25 : vector<2048x128xf32>
      %mul3A_27 = vector.broadcast %rsqrt3A : vector<2048x1xf32> to vector<2048x128xf32>
      %mul3A_28 = arith.mulf %add3A_26, %mul3A_27 : vector<2048x128xf32>
      %mul3A_29 = arith.mulf %rsqrt3A, %rsqrt3A : vector<2048x1xf32>
      %get3A_30 = arith.constant 0 : index
      %get3A_31 = arith.constant 0 : index
      %get3A_32 = vector.load %arg3[%get3A_30, %get3A_31] : memref<2048x128xf32, #tpu.memory_space<vmem>>, vector<2048x128xf32>
      %mul3A_33 = vector.broadcast %mul3A_29 : vector<2048x1xf32> to vector<2048x128xf32>
      %mul3A_34 = arith.mulf %mul3A_33, %get3A_32 : vector<2048x128xf32>
      %add3A_35 = arith.addf %mul3A_28, %mul3A_34 : vector<2048x128xf32>
      %get3A_36 = arith.constant 0 : index
      %get3A_37 = vector.load %arg5[%get3A_36] : memref<128xf32, #tpu.memory_space<vmem>>, vector<128xf32>
      %broadcast_in_dim3A = vector.shape_cast %get3A_37 : vector<128xf32> to vector<1x128xf32>
      %add3A_38 = vector.broadcast %broadcast_in_dim3A : vector<1x128xf32> to vector<2048x128xf32>
      %add3A_39 = arith.addf %add3A_35, %add3A_38 : vector<2048x128xf32>
      %reduce_sum3A = arith.constant dense<0.000000e+00> : vector<2048xf32>
      %reduce_sum3A_40 = vector.multi_reduction <add>, %add3A_39, %reduce_sum3A [1] : vector<2048x128xf32> to vector<2048xf32>
      %broadcast_in_dim3A_41 = vector.shape_cast %reduce_sum3A_40 : vector<2048xf32> to vector<2048x1xf32>
      %div3A = arith.constant 1.280000e+02 : f32
      %div3A_42 = vector.broadcast %div3A : f32 to vector<2048x1xf32>
      %div3A_43 = arith.divf %broadcast_in_dim3A_41, %div3A_42 : vector<2048x1xf32>
      %sub3A = vector.broadcast %div3A_43 : vector<2048x1xf32> to vector<2048x128xf32>
      %sub3A_44 = arith.subf %add3A_39, %sub3A : vector<2048x128xf32>
      %mul3A_45 = arith.mulf %sub3A_44, %sub3A_44 : vector<2048x128xf32>
      %reduce_sum3A_46 = arith.constant dense<0.000000e+00> : vector<2048xf32>
      %reduce_sum3A_47 = vector.multi_reduction <add>, %mul3A_45, %reduce_sum3A_46 [1] : vector<2048x128xf32> to vector<2048xf32>
      %broadcast_in_dim3A_48 = vector.shape_cast %reduce_sum3A_47 : vector<2048xf32> to vector<2048x1xf32>
      %div3A_49 = arith.constant 1.280000e+02 : f32
      %div3A_50 = vector.broadcast %div3A_49 : f32 to vector<2048x1xf32>
      %div3A_51 = arith.divf %broadcast_in_dim3A_48, %div3A_50 : vector<2048x1xf32>
      %add3A_52 = arith.constant 9.99999974E-6 : f32
      %add3A_53 = vector.broadcast %add3A_52 : f32 to vector<2048x1xf32>
      %add3A_54 = arith.addf %div3A_51, %add3A_53 : vector<2048x1xf32>
      %rsqrt3A_55 = math.rsqrt %add3A_54 : vector<2048x1xf32>
      %mul3A_56 = vector.broadcast %rsqrt3A_55 : vector<2048x1xf32> to vector<2048x128xf32>
      %mul3A_57 = arith.mulf %sub3A_44, %mul3A_56 : vector<2048x128xf32>
      %get3A_58 = arith.constant 0 : index
      %get3A_59 = vector.load %arg6[%get3A_58] : memref<128xf32, #tpu.memory_space<vmem>>, vector<128xf32>
      %broadcast_in_dim3A_60 = vector.shape_cast %get3A_59 : vector<128xf32> to vector<1x128xf32>
      %mul3A_61 = vector.broadcast %broadcast_in_dim3A_60 : vector<1x128xf32> to vector<2048x128xf32>
      %mul3A_62 = arith.mulf %mul3A_57, %mul3A_61 : vector<2048x128xf32>
      %get3A_63 = arith.constant 0 : index
      %get3A_64 = vector.load %arg7[%get3A_63] : memref<128xf32, #tpu.memory_space<vmem>>, vector<128xf32>
      %broadcast_in_dim3A_65 = vector.shape_cast %get3A_64 : vector<128xf32> to vector<1x128xf32>
      %add3A_66 = vector.broadcast %broadcast_in_dim3A_65 : vector<1x128xf32> to vector<2048x128xf32>
      %add3A_67 = arith.addf %mul3A_62, %add3A_66 : vector<2048x128xf32>
      %max3A = arith.constant 0.000000e+00 : f32
      %max3A_68 = vector.broadcast %max3A : f32 to vector<2048x128xf32>
      %max3A_69 = arith.maximumf %add3A_67, %max3A_68 : vector<2048x128xf32>
      %mul3A_70 = arith.constant 2048 : i32
      %mul3A_71 = arith.muli %arg1, %mul3A_70 : i32
      %swap3A = arith.index_cast %mul3A_71 : i32 to index
      %swap3A_72 = arith.constant 0 : index
      %swap3A_73 = vector.load %arg13[%swap3A, %swap3A_72] : memref<10240x128xf32, #tpu.memory_space<vmem>>, vector<2048x128xf32>
      tpu.vector_store %arg13[%swap3A, %swap3A_72], %max3A_69 {strides = array<i32>} : memref<10240x128xf32, #tpu.memory_space<vmem>>, vector<2048x128xf32>,
      %mul3A_74 = arith.mulf %max3A_69, %max3A_69 : vector<2048x128xf32>
      %reduce_sum3A_75 = arith.constant dense<0.000000e+00> : vector<2048xf32>
      %reduce_sum3A_76 = vector.multi_reduction <add>, %mul3A_74, %reduce_sum3A_75 [1] : vector<2048x128xf32> to vector<2048xf32>
      %broadcast_in_dim3A_77 = vector.shape_cast %reduce_sum3A_76 : vector<2048xf32> to vector<2048x1xf32>
      %sqrt3A = math.sqrt %broadcast_in_dim3A_77 : vector<2048x1xf32>
      %jit3A = arith.constant 3.000000e+38 : f32
      %broadcast_in_dim3A_78 = vector.broadcast %jit3A : f32 to vector<2048x1xf32>
      %select_n3A = arith.select %lt3A_3, %sqrt3A, %broadcast_in_dim3A_78 : vector<2048x1xi1>, vector<2048x1xf32>
      %reduce_min3A = vector.shape_cast %select_n3A : vector<2048x1xf32> to vector<1x2048x1xf32>
      %reduce_min3A_79 = arith.constant dense<0x7F800000> : vector<1xf32>
      %reduce_min3A_80 = vector.multi_reduction <minimumf>, %reduce_min3A, %reduce_min3A_79 [1, 2] : vector<1x2048x1xf32> to vector<1xf32>
      %reduce_min3A_81 = vector.shape_cast %reduce_min3A_80 : vector<1xf32> to vector<1x1x1xf32>
      %reduce_min3A_82 = vector.extract %reduce_min3A_81[0, 0, 0] : f32 from vector<1x1x1xf32>
      %swap3A_83 = arith.constant 0 : index
      %swap3A_84 = arith.index_cast %arg1 : i32 to index
      %swap3A_85 = memref.load %arg14[%swap3A_83, %swap3A_84] : memref<2x5xf32, #tpu.memory_space<smem>>
      memref.store %reduce_min3A_82, %arg14[%swap3A_83, %swap3A_84] : memref<2x5xf32, #tpu.memory_space<smem>>
      %neg3A = arith.constant 0.000000e+00 : f32
      %neg3A_86 = arith.constant 3.000000e+38 : f32
      %neg3A_87 = arith.subf %neg3A, %neg3A_86 : f32
      %broadcast_in_dim3A_88 = vector.broadcast %neg3A_87 : f32 to vector<2048x1xf32>
      %select_n3A_89 = arith.select %lt3A_3, %sqrt3A, %broadcast_in_dim3A_88 : vector<2048x1xi1>, vector<2048x1xf32>
      %reduce_max3A = vector.shape_cast %select_n3A_89 : vector<2048x1xf32> to vector<1x2048x1xf32>
      %reduce_max3A_90 = arith.constant dense<0xFF800000> : vector<1xf32>
      %reduce_max3A_91 = vector.multi_reduction <maximumf>, %reduce_max3A, %reduce_max3A_90 [1, 2] : vector<1x2048x1xf32> to vector<1xf32>
      %reduce_max3A_92 = vector.shape_cast %reduce_max3A_91 : vector<1xf32> to vector<1x1x1xf32>
      %reduce_max3A_93 = vector.extract %reduce_max3A_92[0, 0, 0] : f32 from vector<1x1x1xf32>
      %swap3A_94 = arith.constant 1 : index
      %swap3A_95 = arith.index_cast %arg1 : i32 to index
      %swap3A_96 = memref.load %arg14[%swap3A_94, %swap3A_95] : memref<2x5xf32, #tpu.memory_space<smem>>
      memref.store %reduce_max3A_93, %arg14[%swap3A_94, %swap3A_95] : memref<2x5xf32, #tpu.memory_space<smem>>
      %broadcast_in_dim3A_97 = arith.constant 0.000000e+00 : f32
      %broadcast_in_dim3A_98 = vector.broadcast %broadcast_in_dim3A_97 : f32 to vector<2048x128xf32>
      %swap3A_99 = arith.constant 0 : index
      %swap3A_100 = arith.constant 0 : index
      %swap3A_101 = vector.load %arg9[%swap3A_99, %swap3A_100] : memref<2048x128xf32, #tpu.memory_space<vmem>>, vector<2048x128xf32>
      tpu.vector_store %arg9[%swap3A_99, %swap3A_100], %broadcast_in_dim3A_98 {strides = array<i32>} : memref<2048x128xf32, #tpu.memory_space<vmem>>, vector<2048x128xf32>,
      %broadcast_in_dim3A_102 = arith.constant 0.000000e+00 : f32
      %broadcast_in_dim3A_103 = vector.broadcast %broadcast_in_dim3A_102 : f32 to vector<2048x64xf32>
      %swap3A_104 = arith.constant 0 : index
      %swap3A_105 = arith.constant 0 : index
      %swap3A_106 = vector.load %arg10[%swap3A_104, %swap3A_105] : memref<2048x64xf32, #tpu.memory_space<vmem>>, vector<2048x64xf32>
      tpu.vector_store %arg10[%swap3A_104, %swap3A_105], %broadcast_in_dim3A_103 {strides = array<i32>} : memref<2048x64xf32, #tpu.memory_space<vmem>>, vector<2048x64xf32>,
      %broadcast_in_dim3A_107 = arith.constant 0.000000e+00 : f32
      %broadcast_in_dim3A_108 = vector.broadcast %broadcast_in_dim3A_107 : f32 to vector<2048x1xf32>
      %swap3A_109 = arith.constant 0 : index
      %swap3A_110 = arith.constant 0 : index
      %swap3A_111 = vector.load %arg11[%swap3A_109, %swap3A_110] : memref<2048x1xf32, #tpu.memory_space<vmem>>, vector<2048x1xf32>
      tpu.vector_store %arg11[%swap3A_109, %swap3A_110], %broadcast_in_dim3A_108 {strides = array<i32>} : memref<2048x1xf32, #tpu.memory_space<vmem>>, vector<2048x1xf32>,
      %broadcast_in_dim3A_112 = arith.constant 0.000000e+00 : f32
      %broadcast_in_dim3A_113 = vector.broadcast %broadcast_in_dim3A_112 : f32 to vector<2048x1xf32>
      %swap3A_114 = arith.constant 0 : index
      %swap3A_115 = arith.constant 0 : index
      %swap3A_116 = vector.load %arg12[%swap3A_114, %swap3A_115] : memref<2048x1xf32, #tpu.memory_space<vmem>>, vector<2048x1xf32>
      tpu.vector_store %arg12[%swap3A_114, %swap3A_115], %broadcast_in_dim3A_113 {strides = array<i32>} : memref<2048x1xf32, #tpu.memory_space<vmem>>, vector<2048x1xf32>,
    } else {
    }
    %eq3A_8 = arith.constant 1 : i32
    %eq3A_9 = arith.cmpi eq, %arg0, %eq3A_8 : i32
    %convert_element_type3A_10 = arith.extui %eq3A_9 : i1 to i32
    %cond3A_11 = arith.constant 0 : i32
    %cond3A_12 = arith.cmpi ne, %convert_element_type3A_10, %cond3A_11 : i32
    scf.if %cond3A_12 {
      %get3A_13 = arith.constant 0 : index
      %get3A_14 = arith.constant 0 : index
      %get3A_15 = memref.load %arg14[%get3A_13, %get3A_14] : memref<2x5xf32, #tpu.memory_space<smem>>
      %get3A_16 = arith.constant 1 : index
      %get3A_17 = arith.constant 0 : index
      %get3A_18 = memref.load %arg14[%get3A_16, %get3A_17] : memref<2x5xf32, #tpu.memory_space<smem>>
      %get3A_19 = arith.constant 0 : index
      %get3A_20 = arith.constant 1 : index
      %get3A_21 = memref.load %arg14[%get3A_19, %get3A_20] : memref<2x5xf32, #tpu.memory_space<smem>>
      %min3A = arith.minimumf %get3A_15, %get3A_21 : f32
      %get3A_22 = arith.constant 1 : index
      %get3A_23 = arith.constant 1 : index
      %get3A_24 = memref.load %arg14[%get3A_22, %get3A_23] : memref<2x5xf32, #tpu.memory_space<smem>>
      %max3A = arith.maximumf %get3A_18, %get3A_24 : f32
      %get3A_25 = arith.constant 0 : index
      %get3A_26 = arith.constant 2 : index
      %get3A_27 = memref.load %arg14[%get3A_25, %get3A_26] : memref<2x5xf32, #tpu.memory_space<smem>>
      %min3A_28 = arith.minimumf %min3A, %get3A_27 : f32
      %get3A_29 = arith.constant 1 : index
      %get3A_30 = arith.constant 2 : index
      %get3A_31 = memref.load %arg14[%get3A_29, %get3A_30] : memref<2x5xf32, #tpu.memory_space<smem>>
      %max3A_32 = arith.maximumf %max3A, %get3A_31 : f32
      %get3A_33 = arith.constant 0 : index
      %get3A_34 = arith.constant 3 : index
      %get3A_35 = memref.load %arg14[%get3A_33, %get3A_34] : memref<2x5xf32, #tpu.memory_space<smem>>
      %min3A_36 = arith.minimumf %min3A_28, %get3A_35 : f32
      %get3A_37 = arith.constant 1 : index
      %get3A_38 = arith.constant 3 : index
      %get3A_39 = memref.load %arg14[%get3A_37, %get3A_38] : memref<2x5xf32, #tpu.memory_space<smem>>
      %max3A_40 = arith.maximumf %max3A_32, %get3A_39 : f32
      %get3A_41 = arith.constant 0 : index
      %get3A_42 = arith.constant 4 : index
      %get3A_43 = memref.load %arg14[%get3A_41, %get3A_42] : memref<2x5xf32, #tpu.memory_space<smem>>
      %min3A_44 = arith.minimumf %min3A_36, %get3A_43 : f32
      %get3A_45 = arith.constant 1 : index
      %get3A_46 = arith.constant 4 : index
      %get3A_47 = memref.load %arg14[%get3A_45, %get3A_46] : memref<2x5xf32, #tpu.memory_space<smem>>
      %max3A_48 = arith.maximumf %max3A_40, %get3A_47 : f32
      %mul3A_49 = arith.constant 2048 : i32
      %mul3A_50 = arith.muli %arg1, %mul3A_49 : i32
      %get3A_51 = arith.index_cast %mul3A_50 : i32 to index
      %get3A_52 = arith.constant 0 : index
      %get3A_53 = vector.load %arg13[%get3A_51, %get3A_52] : memref<10240x128xf32, #tpu.memory_space<vmem>>, vector<2048x128xf32>
      %mul3A_54 = arith.mulf %get3A_53, %get3A_53 : vector<2048x128xf32>
      %reduce_sum3A = arith.constant dense<0.000000e+00> : vector<2048xf32>
      %reduce_sum3A_55 = vector.multi_reduction <add>, %mul3A_54, %reduce_sum3A [1] : vector<2048x128xf32> to vector<2048xf32>
      %broadcast_in_dim3A = vector.shape_cast %reduce_sum3A_55 : vector<2048xf32> to vector<2048x1xf32>
      %sqrt3A = math.sqrt %broadcast_in_dim3A : vector<2048x1xf32>
      %sub3A = vector.broadcast %min3A_44 : f32 to vector<2048x1xf32>
      %sub3A_56 = arith.subf %sqrt3A, %sub3A : vector<2048x1xf32>
      %sub3A_57 = arith.subf %max3A_48, %min3A_44 : f32
      %add3A_58 = arith.constant 9.99999993E-9 : f32
      %add3A_59 = arith.addf %sub3A_57, %add3A_58 : f32
      %div3A = vector.broadcast %add3A_59 : f32 to vector<2048x1xf32>
      %div3A_60 = arith.divf %sub3A_56, %div3A : vector<2048x1xf32>
      %gt3A = arith.constant 1.000000e-01 : f32
      %gt3A_61 = vector.broadcast %gt3A : f32 to vector<2048x1xf32>
      %gt3A_62 = arith.cmpf ogt, %div3A_60, %gt3A_61 : vector<2048x1xf32>
      %and3A = arith.andi %gt3A_62, %lt3A_3 : vector<2048x1xi1>
      %jit3A = arith.constant 1.000000e+00 : f32
      %jit3A_63 = arith.constant 0.000000e+00 : f32
      %broadcast_in_dim3A_64 = vector.broadcast %jit3A : f32 to vector<2048x1xf32>
      %broadcast_in_dim3A_65 = vector.broadcast %jit3A_63 : f32 to vector<2048x1xf32>
      %select_n3A = arith.select %and3A, %broadcast_in_dim3A_64, %broadcast_in_dim3A_65 : vector<2048x1xi1>, vector<2048x1xf32>
      %mul3A_66 = arith.mulf %select_n3A, %get3A_5 : vector<2048x1xf32>
      %add3A_67 = arith.constant 1.000000e+00 : f32
      %add3A_68 = vector.broadcast %add3A_67 : f32 to vector<2048x1xf32>
      %add3A_69 = arith.addf %mul3A_66, %add3A_68 : vector<2048x1xf32>
      %rsqrt3A = math.rsqrt %add3A_69 : vector<2048x1xf32>
      %get3A_70 = arith.constant 0 : index
      %get3A_71 = arith.constant 0 : index
      %get3A_72 = vector.load %arg8[%get3A_70, %get3A_71] : memref<128x64xf32, #tpu.memory_space<vmem>>, vector<128x64xf32>
      %dot_general3A = arith.constant dense<0.000000e+00> : vector<2048x64xf32>
      %dot_general3A_73 = tpu.matmul %get3A_53, %get3A_72, %dot_general3A {dimension_numbers = #tpu.dot_dimension_numbers<[1], [0], [0], [1], [0, 0, 1, 1], [], []>, precision = #tpu.contract_precision<fp32>, transpose_lhs_hint = false} : vector<2048x128xf32>, vector<128x64xf32>, vector<2048x64xf32> -> vector<2048x64xf32>
      %mul3A_74 = vector.broadcast %rsqrt3A : vector<2048x1xf32> to vector<2048x64xf32>
      %mul3A_75 = arith.mulf %dot_general3A_73, %mul3A_74 : vector<2048x64xf32>
      %broadcast_in_dim3A_76 = arith.constant 0.000000e+00 : f32
      %broadcast_in_dim3A_77 = vector.broadcast %broadcast_in_dim3A_76 : f32 to vector<2048x64xf32>
      %concatenate3A = tpu.concatenate %mul3A_75, %broadcast_in_dim3A_77 in 1 : vector<2048x64xf32>, vector<2048x64xf32> -> vector<2048x128xf32>
      %swap3A = arith.constant 0 : index
      %swap3A_78 = arith.constant 0 : index
      %swap3A_79 = vector.load %arg9[%swap3A, %swap3A_78] : memref<2048x128xf32, #tpu.memory_space<vmem>>, vector<2048x128xf32>
      tpu.vector_store %arg9[%swap3A, %swap3A_78], %concatenate3A {strides = array<i32>} : memref<2048x128xf32, #tpu.memory_space<vmem>>, vector<2048x128xf32>,
      %swap3A_80 = arith.constant 0 : index
      %swap3A_81 = arith.constant 0 : index
      %swap3A_82 = vector.load %arg10[%swap3A_80, %swap3A_81] : memref<2048x64xf32, #tpu.memory_space<vmem>>, vector<2048x64xf32>
      tpu.vector_store %arg10[%swap3A_80, %swap3A_81], %dot_general3A_73 {strides = array<i32>} : memref<2048x64xf32, #tpu.memory_space<vmem>>, vector<2048x64xf32>,
      %mul3A_83 = arith.mulf %select_n3A, %rsqrt3A : vector<2048x1xf32>
      %swap3A_84 = arith.constant 0 : index
      %swap3A_85 = arith.constant 0 : index
      %swap3A_86 = vector.load %arg11[%swap3A_84, %swap3A_85] : memref<2048x1xf32, #tpu.memory_space<vmem>>, vector<2048x1xf32>
      tpu.vector_store %arg11[%swap3A_84, %swap3A_85], %mul3A_83 {strides = array<i32>} : memref<2048x1xf32, #tpu.memory_space<vmem>>, vector<2048x1xf32>,
      %mul3A_87 = arith.mulf %rsqrt3A, %rsqrt3A : vector<2048x1xf32>
      %swap3A_88 = arith.constant 0 : index
      %swap3A_89 = arith.constant 0 : index
      %swap3A_90 = vector.load %arg12[%swap3A_88, %swap3A_89] : memref<2048x1xf32, #tpu.memory_space<vmem>>, vector<2048x1xf32>
      tpu.vector_store %arg12[%swap3A_88, %swap3A_89], %mul3A_87 {strides = array<i32>} : memref<2048x1xf32, #tpu.memory_space<vmem>>, vector<2048x1xf32>,
    } else {
    }
    return
  }
  func.func @transform_0(%arg0: i32, %arg1: i32) -> (i32, i32, i32) {
    %c0_i32 = arith.constant 0 : i32
    %c0_i32_0 = arith.constant 0 : i32
    %c0_i32_1 = arith.constant 0 : i32
    return %c0_i32, %arg1, %c0_i32_0 : i32, i32, i32
  }
  func.func @transform_1(%arg0: i32, %arg1: i32) -> (i32, i32) {
    %c0_i32 = arith.constant 0 : i32
    %c0_i32_0 = arith.constant 0 : i32
    return %arg1, %c0_i32 : i32, i32
  }
  func.func @transform_2(%arg0: i32, %arg1: i32) -> (i32, i32) {
    %c0_i32 = arith.constant 0 : i32
    %c0_i32_0 = arith.constant 0 : i32
    return %arg1, %c0_i32 : i32, i32
  }
  func.func @transform_3(%arg0: i32, %arg1: i32) -> i32 {
    %c0_i32 = arith.constant 0 : i32
    %c0_i32_0 = arith.constant 0 : i32
    return %c0_i32 : i32
  }
  func.func @transform_4(%arg0: i32, %arg1: i32) -> i32 {
    %c0_i32 = arith.constant 0 : i32
    %c0_i32_0 = arith.constant 0 : i32
    return %c0_i32 : i32
  }
  func.func @transform_5(%arg0: i32, %arg1: i32) -> i32 {
    %c0_i32 = arith.constant 0 : i32
    %c0_i32_0 = arith.constant 0 : i32
    return %c0_i32 : i32
  }
  func.func @transform_6(%arg0: i32, %arg1: i32) -> (i32, i32) {
    %c0_i32 = arith.constant 0 : i32
    %c0_i32_0 = arith.constant 0 : i32
    %c0_i32_1 = arith.constant 0 : i32
    return %c0_i32, %c0_i32_0 : i32, i32
  }
  func.func @transform_7(%arg0: i32, %arg1: i32) -> (i32, i32) {
    %c0_i32 = arith.constant 0 : i32
    %c0_i32_0 = arith.constant 0 : i32
    return %arg1, %c0_i32 : i32, i32
  }
  func.func @transform_8(%arg0: i32, %arg1: i32) -> (i32, i32) {
    %c0_i32 = arith.constant 0 : i32
    %c0_i32_0 = arith.constant 0 : i32
    return %arg1, %c0_i32 : i32, i32
  }
  func.func @transform_9(%arg0: i32, %arg1: i32) -> (i32, i32) {
    %c0_i32 = arith.constant 0 : i32
    %c0_i32_0 = arith.constant 0 : i32
    return %arg1, %c0_i32 : i32, i32
  }
  func.func @transform_10(%arg0: i32, %arg1: i32) -> (i32, i32) {
    %c0_i32 = arith.constant 0 : i32
    %c0_i32_0 = arith.constant 0 : i32
    return %arg1, %c0_i32 : i32, i32
  }
}

module attributes {stable_mosaic.version = 14 : i64} {
  func.func @_tc_c_body(%arg0: i32, %arg1: memref<2x2048x128xf32, #tpu.memory_space<vmem>>, %arg2: memref<2048x64xf32, #tpu.memory_space<vmem>>, %arg3: memref<2048x1xf32, #tpu.memory_space<vmem>>, %arg4: memref<2048x1xf32, #tpu.memory_space<vmem>>, %arg5: memref<64xf32, #tpu.memory_space<vmem>>, %arg6: memref<2048x64xf32, #tpu.memory_space<vmem>>) attributes {dimension_semantics = [#tpu.dimension_semantics<arbitrary>], iteration_bounds = array<i64: 5>, scalar_prefetch = 0 : i64, scratch_operands = 0 : i64, tpu.core_type = #tpu.core_type<tc>, window_params = [{transform_indices = @transform_0, window_bounds = array<i64: 2, 2048, 128>}, {transform_indices = @transform_1, window_bounds = array<i64: 2048, 64>}, {transform_indices = @transform_2, window_bounds = array<i64: 2048, 1>}, {transform_indices = @transform_3, window_bounds = array<i64: 2048, 1>}, {pipeline_mode = #tpu.pipeline_mode<synchronous>, transform_indices = @transform_4, window_bounds = array<i64: 64>}, {transform_indices = @transform_5, window_bounds = array<i64: 2048, 64>}]} {
    %get3A = arith.constant 0 : index
    %get3A_0 = arith.constant 0 : index
    %get3A_1 = arith.constant 0 : index
    %get3A_2 = vector.load %arg1[%get3A, %get3A_0, %get3A_1] : memref<2x2048x128xf32, #tpu.memory_space<vmem>>, vector<1x2048x128xf32>
    %get3A_3 = vector.shape_cast %get3A_2 : vector<1x2048x128xf32> to vector<2048x128xf32>
    %get3A_4 = arith.constant 1 : index
    %get3A_5 = arith.constant 0 : index
    %get3A_6 = arith.constant 0 : index
    %get3A_7 = vector.load %arg1[%get3A_4, %get3A_5, %get3A_6] : memref<2x2048x128xf32, #tpu.memory_space<vmem>>, vector<1x2048x128xf32>
    %get3A_8 = vector.shape_cast %get3A_7 : vector<1x2048x128xf32> to vector<2048x128xf32>
    %add3A = arith.addf %get3A_3, %get3A_8 : vector<2048x128xf32>
    %slice3A = vector.extract_strided_slice %add3A {offsets = [0, 0], sizes = [2048, 64], strides = [1, 1]} : vector<2048x128xf32> to vector<2048x64xf32>
    %get3A_9 = arith.constant 0 : index
    %get3A_10 = arith.constant 0 : index
    %get3A_11 = vector.load %arg3[%get3A_9, %get3A_10] : memref<2048x1xf32, #tpu.memory_space<vmem>>, vector<2048x1xf32>
    %mul3A = vector.broadcast %get3A_11 : vector<2048x1xf32> to vector<2048x64xf32>
    %mul3A_12 = arith.mulf %slice3A, %mul3A : vector<2048x64xf32>
    %get3A_13 = arith.constant 0 : index
    %get3A_14 = arith.constant 0 : index
    %get3A_15 = vector.load %arg4[%get3A_13, %get3A_14] : memref<2048x1xf32, #tpu.memory_space<vmem>>, vector<2048x1xf32>
    %get3A_16 = arith.constant 0 : index
    %get3A_17 = arith.constant 0 : index
    %get3A_18 = vector.load %arg2[%get3A_16, %get3A_17] : memref<2048x64xf32, #tpu.memory_space<vmem>>, vector<2048x64xf32>
    %mul3A_19 = vector.broadcast %get3A_15 : vector<2048x1xf32> to vector<2048x64xf32>
    %mul3A_20 = arith.mulf %mul3A_19, %get3A_18 : vector<2048x64xf32>
    %add3A_21 = arith.addf %mul3A_12, %mul3A_20 : vector<2048x64xf32>
    %get3A_22 = arith.constant 0 : index
    %get3A_23 = vector.load %arg5[%get3A_22] : memref<64xf32, #tpu.memory_space<vmem>>, vector<64xf32>
    %broadcast_in_dim3A = vector.shape_cast %get3A_23 : vector<64xf32> to vector<1x64xf32>
    %add3A_24 = vector.broadcast %broadcast_in_dim3A : vector<1x64xf32> to vector<2048x64xf32>
    %add3A_25 = arith.addf %add3A_21, %add3A_24 : vector<2048x64xf32>
    %reduce_max3A = arith.constant dense<0xFF800000> : vector<2048xf32>
    %reduce_max3A_26 = vector.multi_reduction <maximumf>, %add3A_25, %reduce_max3A [1] : vector<2048x64xf32> to vector<2048xf32>
    %broadcast_in_dim3A_27 = vector.shape_cast %reduce_max3A_26 : vector<2048xf32> to vector<2048x1xf32>
    %sub3A = vector.broadcast %broadcast_in_dim3A_27 : vector<2048x1xf32> to vector<2048x64xf32>
    %sub3A_28 = arith.subf %add3A_25, %sub3A : vector<2048x64xf32>
    %exp3A = math.exp %sub3A_28 : vector<2048x64xf32>
    %reduce_sum3A = arith.constant dense<0.000000e+00> : vector<2048xf32>
    %reduce_sum3A_29 = vector.multi_reduction <add>, %exp3A, %reduce_sum3A [1] : vector<2048x64xf32> to vector<2048xf32>
    %broadcast_in_dim3A_30 = vector.shape_cast %reduce_sum3A_29 : vector<2048xf32> to vector<2048x1xf32>
    %log3A = math.log %broadcast_in_dim3A_30 : vector<2048x1xf32>
    %sub3A_31 = vector.broadcast %log3A : vector<2048x1xf32> to vector<2048x64xf32>
    %sub3A_32 = arith.subf %sub3A_28, %sub3A_31 : vector<2048x64xf32>
    %swap3A = arith.constant 0 : index
    %swap3A_33 = arith.constant 0 : index
    %swap3A_34 = vector.load %arg6[%swap3A, %swap3A_33] : memref<2048x64xf32, #tpu.memory_space<vmem>>, vector<2048x64xf32>
    tpu.vector_store %arg6[%swap3A, %swap3A_33], %sub3A_32 {strides = array<i32>} : memref<2048x64xf32, #tpu.memory_space<vmem>>, vector<2048x64xf32>,
    return
  }
  func.func @transform_0(%arg0: i32) -> (i32, i32, i32) {
    %c0_i32 = arith.constant 0 : i32
    %c0_i32_0 = arith.constant 0 : i32
    %c0_i32_1 = arith.constant 0 : i32
    return %c0_i32, %arg0, %c0_i32_0 : i32, i32, i32
  }
  func.func @transform_1(%arg0: i32) -> (i32, i32) {
    %c0_i32 = arith.constant 0 : i32
    %c0_i32_0 = arith.constant 0 : i32
    return %arg0, %c0_i32 : i32, i32
  }
  func.func @transform_2(%arg0: i32) -> (i32, i32) {
    %c0_i32 = arith.constant 0 : i32
    %c0_i32_0 = arith.constant 0 : i32
    return %arg0, %c0_i32 : i32, i32
  }
  func.func @transform_3(%arg0: i32) -> (i32, i32) {
    %c0_i32 = arith.constant 0 : i32
    %c0_i32_0 = arith.constant 0 : i32
    return %arg0, %c0_i32 : i32, i32
  }
  func.func @transform_4(%arg0: i32) -> i32 {
    %c0_i32 = arith.constant 0 : i32
    %c0_i32_0 = arith.constant 0 : i32
    return %c0_i32 : i32
  }
  func.func @transform_5(%arg0: i32) -> (i32, i32) {
    %c0_i32 = arith.constant 0 : i32
    %c0_i32_0 = arith.constant 0 : i32
    return %arg0, %c0_i32 : i32, i32
  }
}

</mosaic_0001>

<sc_bundles>
// kernel: kernel.12.cloned.1.call-start
scs
__scs_entry_jumppad:
0x0: {  	(pc) =	sbr.rel $0x88, $3  }
0x1: {  	(tag) =	ssettag $0x0;
	lr =	simm.s32 $0x1  }
0x2: {  	[smem:$0x3F99] =	sst lr;
	_ =	strace $0xD0000000  }
0x3: {  	_ = 	snop  }
0x4: {  	_ = 	snop  }
0x5: {  	_ = 	snop  }
0x6: {  	_ = 	snop  }
0x7: {  	_ = 	snop  }
__scs_overlays_trampoline_lowered:
0x8: {  	[smem:$0x3FA8] =	sst s0  }
0x9: {  	[smem:$0x3FA9] =	sst s1  }
0xa: {  	[smem:$0x3FAA] =	sst s2  }
0xb: {  	[smem:$0x3FAB] =	sst s3  }
0xc: {  	[smem:$0x3FAC] =	sst s4  }
0xd: {  	[smem:$0x3FAD] =	sst s5  }
0xe: {  	[smem:$0x3FAE] =	sst s6  }
0xf: {  	[smem:$0x3FAF] =	sst s7  }
0x10: {  	[smem:$0x3FB0] =	sst s8  }
0x11: {  	[smem:$0x3FB1] =	sst s9;
	s0 =	simm.s32 @!p0 $0x0  }
0x12: {  	s1 =	sld [smem:$0x3F97];
	s0 =	simm.s32 @p0 $0x1  }
0x13: {  	[smem:$0x3FB2] =	sst s0;
	s0 =	simm.s32 @!p1 $0x0  }
0x14: {  	s2 =	sld [smem:$0x3F96];
	s0 =	simm.s32 @p1 $0x1  }
0x15: {  	[smem:$0x3FB3] =	sst s0;
	s0 =	simm.s32 @!p2 $0x0  }
0x16: {  	s3 =	sld [smem:$0x3FDB];
	s0 =	simm.s32 @p2 $0x1  }
0x17: {  	s4 =	simm.s32 $0x1BF5;
	[smem:$0x3FB5] =	sst s0  }
0x18: {  	s0 =	sld [smem:$0x3F98];
	_ =	swait.ge [sflag:s4], $0x0  }
0x19: {  	s7 =	sld [smem:$0x3F99]  }
0x1a: {  	s8 =	sadd.s32 $0xFFFFE003, lr  }
0x1b: {  	s9 =	sadd.s32 $0xFFFFFEF7, lr;
	s5 =	simm.s32 $0xFFFFFFFF;
	p2 =	slt.u32 s8, $0xFFFFF086  }
0x1c: {  	p1 =	slt.u32 s9, $0xF7A;
	s5 =	simm.s32 @!p2 $0x0  }
0x1d: {  	s5 =	simm.s32 @p1 $0x1;
	p0 =	seq.s32 s7, s2  }
0x1e: {  	s7 =	smul.u32 @!p0 $0xF7A, s2;
	p2 =	seq.s32 @!p0 s5, $0x0  }
0x1f: {  	s9 =	smul.u32 $0xF7A, s1;
	s8 =	simm.s32 @!p0 $0x1BF5;
	p2 =	por !p2, p0  }
0x20: {  	[sflag:s8] =	ssyncset.s32 @!p0 $0xFFFFF086;
	s6 =	sadd.s32 @!p0 s3, s7;
	s7 =	simm.s32 @!p0 $0x108  }
0x21: {  	s3 =	sadd.s32 s3, s9;
	s6 =	sadd.s32 @!p0 $0x88, s6;
	s7 =	simm.s32 @p2 $0x1082  }
0x22: {  	[simem:s7], [sflag:s8] =	dma.local @!p0 [hbm:s6], $0xF7A  }
0x23: {  	s9 =	sor.u32 $0xD0000000, s2;
	s6 =	simm.s32 $0x108;
	_ =	swait.ge @!p0 [sflag:s8], $0x0  }
0x24: {  	s3 =	sadd.s32 $0x88, s3;
	s6 =	simm.s32 @!p1 $0x1082;
	[sflag:s4] =	ssyncset.s32 $0xFFFFF086  }
0x25: {  	[simem:s6], [sflag:s4] =	dma.local [hbm:s3], $0xF7A  }
0x26: {  	[smem:$0x3F99] =	sst s1;
	(tag) =	ssettag s2;
	_ =	strace s9  }
0x27: {  	s1 =	sld [smem:$0x3FA9]  }
0x28: {  	s2 =	sld [smem:$0x3FAA]  }
0x29: {  	s4 =	sld [smem:$0x3FAC]  }
0x2a: {  	p0 =	seq.s32 s5, $0x0;
	s5 =	sld [smem:$0x3FAD]  }
0x2b: {  	s6 =	sld [smem:$0x3FAE]  }
0x2c: {  	s7 =	sld [smem:$0x3FAF]  }
0x2d: {  	s3 =	simm.s32 $0x108;
	s8 =	sld [smem:$0x3FB0]  }
0x2e: {  	s3 =	simm.s32 @!p0 $0x1082;
	s9 =	sld [smem:$0x3FB1]  }
0x2f: {  	lr =	sadd.s32 s0, s3;
	s0 =	sld [smem:$0x3FA8]  }
0x30: {  	s3 =	sld [smem:$0x3FAB]  }
0x31: {  	[smem:$0x3FB4] =	sst s10  }
0x32: {  	s10 =	sld [smem:$0x3FB2];
	_ =	sdelay $0x3  }
0x33: {  	p0 =	seq.s32 s10, $0x1;
	s10 =	sld [smem:$0x3FB4];
	_ =	sdelay $0x3  }
0x34: {  	[smem:$0x3FB4] =	sst s10  }
0x35: {  	s10 =	sld [smem:$0x3FB3];
	_ =	sdelay $0x3  }
0x36: {  	p1 =	seq.s32 s10, $0x1;
	s10 =	sld [smem:$0x3FB4];
	_ =	sdelay $0x3  }
0x37: {  	[smem:$0x3FB4] =	sst s10  }
0x38: {  	s10 =	sld [smem:$0x3FB5]  }
0x39: {  	_ = 	snop;
	(pc) =	sbr.ind lr, $3  }
0x3a: {  	_ = 	snop  }
0x3b: {  	_ = 	snop  }
0x3c: {  	p2 =	seq.s32 s10, $0x1;
	s10 =	sld [smem:$0x3FB4]  }
0x3d: {  	_ =	shalt  }
0x3e: {  	_ =	shalt  }
0x3f: {  	_ =	shalt  }
0x40: {  	_ =	shalt  }
0x41: {  	_ =	shalt  }
0x42: {  	_ =	shalt  }
0x43: {  	_ =	shalt  }
0x44: {  	_ =	shalt  }
0x45: {  	_ =	shalt  }
0x46: {  	_ =	shalt  }
0x47: {  	_ =	shalt  }
0x48: {  	_ =	shalt  }
0x49: {  	_ =	shalt  }
0x4a: {  	_ =	shalt  }
0x4b: {  	_ =	shalt  }
0x4c: {  	_ =	shalt  }
0x4d: {  	_ =	shalt  }
0x4e: {  	_ =	shalt  }
0x4f: {  	_ =	shalt  }
0x50: {  	_ =	shalt  }
0x51: {  	_ =	shalt  }
0x52: {  	_ =	shalt  }
0x53: {  	_ =	shalt  }
0x54: {  	_ =	shalt  }
0x55: {  	_ =	shalt  }
0x56: {  	_ =	shalt  }
0x57: {  	_ =	shalt  }
0x58: {  	_ =	shalt  }
0x59: {  	_ =	shalt  }
0x5a: {  	_ =	shalt  }
0x5b: {  	_ =	shalt  }
0x5c: {  	_ =	shalt  }
0x5d: {  	_ =	shalt  }
0x5e: {  	_ =	shalt  }
0x5f: {  	_ =	shalt  }
0x60: {  	_ =	shalt  }
0x61: {  	_ =	shalt  }
0x62: {  	_ =	shalt  }
0x63: {  	_ =	shalt  }
0x64: {  	_ =	shalt  }
0x65: {  	_ =	shalt  }
0x66: {  	_ =	shalt  }
0x67: {  	_ =	shalt  }
0x68: {  	_ =	shalt  }
0x69: {  	_ =	shalt  }
0x6a: {  	_ =	shalt  }
0x6b: {  	_ =	shalt  }
0x6c: {  	_ =	shalt  }
0x6d: {  	_ =	shalt  }
0x6e: {  	_ =	shalt  }
0x6f: {  	_ =	shalt  }
0x70: {  	_ =	shalt  }
0x71: {  	_ =	shalt  }
0x72: {  	_ =	shalt  }
0x73: {  	_ =	shalt  }
0x74: {  	_ =	shalt  }
0x75: {  	_ =	shalt  }
0x76: {  	_ =	shalt  }
0x77: {  	_ =	shalt  }
0x78: {  	_ =	shalt  }
0x79: {  	_ =	shalt  }
0x7a: {  	_ =	shalt  }
0x7b: {  	_ =	shalt  }
0x7c: {  	_ =	shalt  }
0x7d: {  	_ =	shalt  }
0x7e: {  	_ =	shalt  }
0x7f: {  	_ =	shalt  }
0x80: {  	_ =	shalt  }
0x81: {  	_ =	shalt  }
0x82: {  	_ =	shalt  }
0x83: {  	_ =	shalt  }
0x84: {  	_ =	shalt  }
0x85: {  	_ =	shalt  }
0x86: {  	_ =	shalt  }
0x87: {  	_ =	shalt  }
.Lfunc_end0:
.L_simem_size_0:
called_computation.1_lowered:
.L_overlay_start_0:
0x88: {  	s2 =	sld [smem:$0x3FD9]  }
0x89: {  	s3 =	sld [smem:$0x3FFE];
	_ =	sdelay $0x1  }
0x8a: {  	s1 =	srdreg.scid  }
0x8b: {  	s0 =	sand.u32 $0x1, s1  }
0x8c: {  	s16 =	sshll.u32 s0, $0xA;
	s2 =	sadd.s32 s3, s2  }
0x8d: {  	s2 =	sadd.s32 s2, s16  }
0x8e: {  	[smem:$0x3FC0] =	sst s2  }
0x8f: {  	_ = 	snop  }
0x90: {  	(tm) =	ssettm $0x1  }
0x91: {  	s17 =	sld [smem:$0x3FFB];
	_ =	sdelay $0x3  }
0x92: {  	_ =	strace s17  }
0x93: {  	s2 =	sld [smem:$0x3FFC];
	_ =	sdelay $0x3  }
0x94: {  	_ =	strace s2  }
0x95: {  	s2 =	sld [smem:$0x3FFD];
	_ =	sdelay $0x3  }
0x96: {  	_ =	strace s2  }
0x97: {  	_ =	strace $0x8FFFFFFF  }
0x98: {  	s18 =	sld [smem:$0x3FDB];
	_ =	sdelay $0x1  }
0x99: {  	s19 =	simm.s32 $_scs_section_size  }
0x9a: {  	s4 =	simm.s32 $_size__tile_overlayer_lowered;
	s5 =	simm.s32 $_tile_overlayer_lowered  }
0x9b: {  	s22 =	simm.s32 $0x1BFF;
	s21 =	sshll.u32 s5, $0x1;
	s2 =	sadd.s32 s19, s18  }
0x9c: {  	s6 =	simm.s32 $0x0;
	s20 =	sshll.u32 s4, $0x1;
	s4 =	sadd.s32 s21, s2  }
0x9d: {  	[timem:s6], [sflag:s22] =	dma.local [hbm:s4], s20  }
0x9e: {  	_ =	swait.ge [sflag:s22], s20  }
0x9f: {  	s3 =	ssub.s32 $0x0, s20;
	[sflag:s22] =	ssyncset.done $0x0  }
0xa0: {  	[sflag:s22] =	ssyncadd.s32 s3;
	_ =	sdelay $0x1  }
0xa1: {  	s23 =	simm.s32 $0x1B8B  }
0xa2: {  	_ =	swait.ge [sflag:s23], $0x1  }
0xa3: {  	[sflag:s23] =	ssyncset.done $0x0  }
0xa4: {  	s25 =	simm.s32 $0x1B8E;
	s24 =	sld [smem:$0x3FFE];
	[sflag:s23] =	ssyncadd.s32 $0xFFFFFFFF  }
0xa5: {  	s26 =	simm.s32 $execute0_lowered;
	[smem:$0x3FD2] =	sst s25  }
0xa6: {  	s4 =	sshll.u32 s26, $0x1;
	_ =	strace $0x80000049;
	[dreg:$0x1] =	wrdreg $0xFFFFFFFF  }
0xa7: {  	s28 =	simm.s32 $_size_execute0_lowered;
	s2 =	sadd.s32 s2, s4;
	[dreg:$0x0] =	wrdreg $0x0  }
0xa8: {  	s4 =	sshll.u32 s28, $0x1;
	[dreg:$0x2] =	wrdreg s2  }
0xa9: {  	[dreg:$0x3] =	wrdreg s4  }
0xaa: {  	[dreg:$0x4] =	wrdreg $0xC0  }
0xab: {  	_ =	task [dreg:s6], $0x5FFFF  }
0xac: {  	[dreg:$0x1] =	wrdreg $0xFFFFFFFF  }
0xad: {  	[dreg:$0x0] =	wrdreg $0x60  }
0xae: {  	[dreg:$0x2] =	wrdreg s24  }
0xaf: {  	[dreg:$0x3] =	wrdreg $0x90000  }
0xb0: {  	[dreg:$0x4] =	wrdreg $0x9  }
0xb1: {  	_ =	task.clear_ibuf [dreg:s6], $0x5FFFF;
	_ =	strace $0x90000049  }
0xb2: {  	s29 =	simm.s32 $0x9;
	_ =	strace $0x8000004B  }
0xb3: {  	_ =	swait.ge [sflag:s29], $0x1  }
0xb4: {  	[sflag:s29] =	ssyncadd.s32 $0xFFFFFFFF  }
0xb5: {  	_ =	strace $0x9000004B  }
0xb6: {  	_ =	sfence  }
0xb7: {  	s30 =	sld [smem:$0x0];
	_ =	sdelay $0x2  }
0xb8: {  	s31 =	sshll.u32 s1, $0xD;
	s1 =	sshrl.u32 s1, $0x2  }
0xb9: {  	s3 =	sand.u32 $0x4000, s31;
	s1 =	sadd.s32 s1, s30  }
0xba: {  	s0 =	sor.u32 s3, s0;
	s1 =	sshll.u32 s1, $0x11  }
0xbb: {  	s0 =	sor.u32 s1, s0  }
0xbc: {  	s0 =	sadd.s32 $0x8F2B, s0  }
0xbd: {  	[sflag:s0] =	ssyncadd.remote.s32 $0x1  }
0xbe: {  	_ =	sfence.sel $0xFFFF  }
0xbf: {  	[dreg:$0x0] =	wrdreg $0xFFFFFFFF;
	(pc) =	sbr.abs _section_cstart, $3  }
0xc0: {  	[dreg:$0x1] =	wrdreg $0xFFFFFFFF  }
0xc1: {  	_ =	task.clear_ibuf [dreg:s6], $0x2FFFF;
	_ =	strace $0x9FFFFFFF  }
0xc2: {  	(tm) =	ssettm $0x7FFFFFFF  }
0xc3: {  	_ =	shalt  }
tec
execute0_lowered:
.L_overlay_start_1:
0x0: {  	(tag) =	ssettag $0x1  }
0x1: {  	s5 =	rddreg [dreg:$0x0]  }
0x2: {  	s2 =	rddreg [dreg:$0x1]  }
0x3: {  	s4 =	srdreg.scid;
	s0 =	stileid.u32;
	s3 =	simm.s32 $0x0  }
0x4: {  	s23 =	simm.s32 $0x40;
	s24 =	simm.s32 $0x1;
	s25 =	simm.s32 $0x0  }
0x5: {  	s6 =	sand.u32 $0x1, s4;
	s28 =	sshll.u32 s0, $0x1;
	s9 =	smul.u32 $0x50000, s0  }
0x6: {  	[smem:$0x7FF] =	sst s3;
	s20 =	sadd.s32 $0x98800, s5;
	s17 =	smul.u32 $0x14000, s0  }
0x7: {  	s4 =	sor.u32 s6, s28;
	_ =	strace $0x8000004A;
	s18 =	smul.u32 $0x140000, s6  }
0x8: {  	s8 =	ssub.s32 $0x2, s6;
	s7 =	smul.u32 $0xA00, s4;
	s4 =	sadd.s32 $0x20800, s5  }
0x9: {  	s29 =	sshrl.u32 s8, $0x1;
	s9 =	sshrl.u32 s9, $0x2;
	s13 =	sadd.s32 $0x4000, s17  }
0xa: {  	s15 =	sadd.s32 $0x8000, s17;
	s19 =	sadd.s32 $0xC000, s17;
	s22 =	sadd.s32 $0x10000, s17  }
0xb: {  	s8 =	ssub.s32 s8, s29;
	s6 =	sadd.s32 s9, s2;
	s12 =	sadd.s32 s18, s17  }
0xc: {  	s14 =	sadd.s32 s18, s13;
	s13 =	sadd.s32 s13, s2;
	s16 =	sadd.s32 s18, s15  }
0xd: {  	s15 =	sadd.s32 s15, s2;
	s21 =	sadd.s32 s18, s19;
	s17 =	sadd.s32 s19, s2  }
0xe: {  	s31 =	sadd.s32 s18, s22;
	s19 =	sadd.s32 s22, s2;
	s22 =	simm.s32 $0x5000  }
0xf: {  	s7 =	sadd.s32 s7, s5;
	s9 =	sadd.s32 $0x8000, s6;
	s10 =	sadd.s32 $0xC000, s6  }
0x10: {  	s11 =	sadd.s32 $0x10000, s6;
	s12 =	sshrl.u32 s12, $0x3;
	s14 =	sshrl.u32 s14, $0x3  }
0x11: {  	s16 =	sshrl.u32 s16, $0x3;
	s30 =	sshrl.u32 s21, $0x3;
	s21 =	sshrl.u32 s31, $0x3  }
0x12: {  	s5 =	sadd.s32 $0xC800, s7;
	s7 =	smax.u32 s8, $0x1;
	s8 =	sadd.s32 $0x4000, s6  }
0x13: {  	s12 =	sadd.s32 s20, s12;
	s14 =	sadd.s32 s20, s14;
	s16 =	sadd.s32 s20, s16  }
0x14: {  	v0 =	vimm.f32 $0.0e+00;
	s18 =	sadd.s32 s20, s30;
	s20 =	sadd.s32 s20, s21;
	s21 =	simm.s32 $0x2  }
.LBB2_1:
0x15: {  	[tilespmem:s3], [sflag:$0x2] =	stream.linear.gather [hbm4b:s5+s3], $0x5000, $0x38;
	[tilespmem:$0x1D000] =	vst v63  }
0x16: {  	_ =	swait.ge [sflag:s21], $0x5000  }
0x17: {  	[sflag:s21] =	ssyncset.done $0x0  }
0x18: {  	s26 =	simm.s32 $0x0;
	s28 =	simm.s32 $0x200;
	[sflag:s21] =	ssyncadd.s32 $0xFFFFB000  }
.LBB2_2:
0x19: {  	p0 =	sne.s32 s28, $0xFE00;
	[tilespmem:s26+$0x5070] =	vst v0  }
0x1a: {  	[tilespmem:s26+$0x5000] =	vst v0  }
0x1b: {  	[tilespmem:s26+$0x5010] =	vst v0  }
.Ltmp0:
0x1c: {  	[tilespmem:s26+$0x5020] =	vst v0;
	(pc) =	sbr.rel @p0 .LBB2_2-.Ltmp0, $4  }
0x1d: {  	[tilespmem:s26+$0x5030] =	vst v0  }
0x1e: {  	[tilespmem:s26+$0x5040] =	vst v0  }
0x1f: {  	[tilespmem:s26+$0x5050] =	vst v0  }
0x20: {  	[tilespmem:s26+$0x5060] =	vst v0;
	s26 =	sshra.s32 s28, $0x2;
	s28 =	sadd.s32 $0x200, s28  }
0x21: {  	[tilespmem:s26+$0x5070] =	vst v0  }
0x22: {  	[tilespmem:s26+$0x5000] =	vst v0  }
0x23: {  	[tilespmem:s26+$0x5010] =	vst v0  }
0x24: {  	[tilespmem:s26+$0x5020] =	vst v0  }
0x25: {  	[tilespmem:s26+$0x5030] =	vst v0  }
0x26: {  	[tilespmem:s26+$0x5040] =	vst v0  }
0x27: {  	[tilespmem:s26+$0x5050] =	vst v0  }
0x28: {  	[tilespmem:s26+$0x5060] =	vst v0  }
0x29: {  	[spmem:s6] =	stream.linear.scatter [tilespmem:s22], [sflag:$0x2], $0x4000, $0x38;
	[tilespmem:$0x1D000] =	vst v63  }
0x2a: {  	_ =	swait.ge [sflag:s21], $0x4000  }
0x2b: {  	[sflag:s21] =	ssyncset.done $0x0  }
0x2c: {  	[sflag:s21] =	ssyncadd.s32 $0xFFFFC000  }
0x2d: {  	[spmem:s8] =	stream.linear.scatter [tilespmem:s22], [sflag:$0x2], $0x4000, $0x38;
	[tilespmem:$0x1D000] =	vst v63  }
0x2e: {  	_ =	swait.ge [sflag:s21], $0x4000  }
0x2f: {  	[sflag:s21] =	ssyncset.done $0x0  }
0x30: {  	[sflag:s21] =	ssyncadd.s32 $0xFFFFC000  }
0x31: {  	[spmem:s9] =	stream.linear.scatter [tilespmem:s22], [sflag:$0x2], $0x4000, $0x38;
	[tilespmem:$0x1D000] =	vst v63  }
0x32: {  	_ =	swait.ge [sflag:s21], $0x4000  }
0x33: {  	[sflag:s21] =	ssyncset.done $0x0  }
0x34: {  	[sflag:s21] =	ssyncadd.s32 $0xFFFFC000  }
0x35: {  	[spmem:s10] =	stream.linear.scatter [tilespmem:s22], [sflag:$0x2], $0x4000, $0x38;
	[tilespmem:$0x1D000] =	vst v63  }
0x36: {  	_ =	swait.ge [sflag:s21], $0x4000  }
0x37: {  	[sflag:s21] =	ssyncset.done $0x0  }
0x38: {  	[sflag:s21] =	ssyncadd.s32 $0xFFFFC000  }
0x39: {  	[spmem:s11] =	stream.linear.scatter [tilespmem:s22], [sflag:$0x2], $0x4000, $0x38;
	[tilespmem:$0x1D000] =	vst v63  }
0x3a: {  	_ =	swait.ge [sflag:s21], $0x4000  }
0x3b: {  	s1 =	simm.s32 $0x0;
	[sflag:s21] =	ssyncset.done $0x0  }
0x3c: {  	s28 =	simm.s32 $0x0;
	s26 =	sand.u32 $0x2000, s1;
	[sflag:s21] =	ssyncadd.s32 $0xFFFFC000  }
0x3d: {  	s28 =	sand.u32 $0x3FC0, s28;
	s29 =	sor.u32 $0x5000, s26;
	[bflag:$0x0] =	sbarrier.arrive $0xFFFF  }
0x3e: {  	[tilespmem:s29], [sflag:$0x1] =	stream.indirect.gather [hbm4b:s4+s23], $0x80, s28, s23, $0xb8;
	[tilespmem:$0x1D000] =	vst v63  }
0x3f: {  	s26 =	sxor.u32 $0x7000, s26;
	s28 =	sadd.s32 $0x2800, s28  }
0x40: {  	[spmem:s2] =	stream.indirect.scatter.add.f32 [tilespmem:s26], [sflag:$0x2], $0x80, s28, s23, $0xb8;
	[tilespmem:$0x1D000] =	vst v63  }
0x41: {  	_ =	swait.ge [sflag:s21], $0x2000  }
0x42: {  	[sflag:s21] =	ssyncset.done $0x0  }
0x43: {  	s31 =	simm.s32 $0x40;
	s29 =	simm.s32 $0x2;
	[sflag:s21] =	ssyncadd.s32 $0xFFFFE000  }
0x44: {  	s26 =	sand.u32 $0x3FC0, s31;
	s28 =	simm.s32 $0x2000;
	_ =	swait.ge [sflag:s24], $0x2000  }
0x45: {  	s30 =	sand.u32 $0x2000, s28;
	s28 =	simm.s32 $0x80;
	[sflag:s24] =	ssyncset.done $0x0  }
.LBB2_4:
0x46: {  	s31 =	sand.u32 $0x3FC0, s28;
	s0 =	sor.u32 $0x5000, s30  }
0x47: {  	[sflag:s24] =	ssyncadd.s32 $0xFFFFE000;
	s1 =	smov.u32 s29;
	s30 =	sxor.u32 $0x7000, s30  }
0x48: {  	[tilespmem:s0], [sflag:$0x1] =	stream.indirect.gather [hbm4b:s4+s23], $0x80, s26, s23, $0xb8;
	[tilespmem:$0x1D000] =	vst v63  }
0x49: {  	p0 =	sne.s32 s29, $0x9F;
	s0 =	sadd.s32 $0x1, s29;
	s26 =	sadd.s32 $0x2800, s26  }
0x4a: {  	[spmem:s2] =	stream.indirect.scatter.add.f32 [tilespmem:s30], [sflag:$0x2], $0x80, s26, s23, $0xb8;
	[tilespmem:$0x1D000] =	vst v63  }
.Ltmp1:
0x4b: {  	_ =	swait.ge [sflag:s21], $0x2000;
	(pc) =	sbr.rel @p0 .LBB2_4-.Ltmp1, $4  }
0x4c: {  	s26 =	smov.u32 s31;
	[sflag:s21] =	ssyncset.done $0x0  }
0x4d: {  	[sflag:s21] =	ssyncadd.s32 $0xFFFFE000  }
0x4e: {  	s28 =	sadd.s32 $0x40, s28;
	s1 =	sshll.u32 s1, $0xD;
	_ =	swait.ge [sflag:s24], $0x2000  }
0x4f: {  	s29 =	smov.u32 s0;
	s30 =	sand.u32 $0x2000, s1;
	[sflag:s24] =	ssyncset.done $0x0  }
0x50: {  	s0 =	sor.u32 $0x5000, s30;
	[sflag:s24] =	ssyncadd.s32 $0xFFFFE000  }
0x51: {  	[tilespmem:s0], [sflag:$0x1] =	stream.indirect.gather [hbm4b:s4+s23], $0x80, s26, s23, $0xb8;
	[tilespmem:$0x1D000] =	vst v63  }
0x52: {  	s31 =	sxor.u32 $0x7000, s30;
	s1 =	sadd.s32 $0x2800, s26  }
0x53: {  	[spmem:s2] =	stream.indirect.scatter.add.f32 [tilespmem:s31], [sflag:$0x2], $0x80, s1, s23, $0xb8;
	[tilespmem:$0x1D000] =	vst v63  }
0x54: {  	_ =	swait.ge [sflag:s21], $0x2000  }
0x55: {  	[sflag:s21] =	ssyncset.done $0x0  }
0x56: {  	[sflag:s21] =	ssyncadd.s32 $0xFFFFE000  }
0x57: {  	_ =	swait.ge [sflag:s24], $0x2000  }
0x58: {  	[sflag:s24] =	ssyncset.done $0x0  }
0x59: {  	[sflag:s24] =	ssyncadd.s32 $0xFFFFE000  }
0x5a: {  	[bflag:$0x0] =	sbarrier.arrive $0xFFFF  }
0x5b: {  	[tilespmem:s22], [sflag:$0x2] =	stream.linear.gather [spmem:s6], $0x4000, $0x38;
	[tilespmem:$0x1D000] =	vst v63  }
0x5c: {  	_ =	swait.ge [sflag:s21], $0x4000  }
0x5d: {  	[sflag:s21] =	ssyncset.done $0x0  }
0x5e: {  	[sflag:s21] =	ssyncadd.s32 $0xFFFFC000  }
0x5f: {  	[hbm4b:s12+s3] =	stream.linear.scatter [tilespmem:s22], [sflag:$0x2], $0x4000, $0x38;
	[tilespmem:$0x1D000] =	vst v63  }
0x60: {  	_ =	swait.ge [sflag:s21], $0x4000  }
0x61: {  	[sflag:s21] =	ssyncset.done $0x0  }
0x62: {  	[sflag:s21] =	ssyncadd.s32 $0xFFFFC000  }
0x63: {  	[tilespmem:s22], [sflag:$0x2] =	stream.linear.gather [spmem:s13], $0x4000, $0x38;
	[tilespmem:$0x1D000] =	vst v63  }
0x64: {  	_ =	swait.ge [sflag:s21], $0x4000  }
0x65: {  	[sflag:s21] =	ssyncset.done $0x0  }
0x66: {  	[sflag:s21] =	ssyncadd.s32 $0xFFFFC000  }
0x67: {  	[hbm4b:s14+s3] =	stream.linear.scatter [tilespmem:s22], [sflag:$0x2], $0x4000, $0x38;
	[tilespmem:$0x1D000] =	vst v63  }
0x68: {  	_ =	swait.ge [sflag:s21], $0x4000  }
0x69: {  	[sflag:s21] =	ssyncset.done $0x0  }
0x6a: {  	[sflag:s21] =	ssyncadd.s32 $0xFFFFC000  }
0x6b: {  	[tilespmem:s22], [sflag:$0x2] =	stream.linear.gather [spmem:s15], $0x4000, $0x38;
	[tilespmem:$0x1D000] =	vst v63  }
0x6c: {  	_ =	swait.ge [sflag:s21], $0x4000  }
0x6d: {  	[sflag:s21] =	ssyncset.done $0x0  }
0x6e: {  	[sflag:s21] =	ssyncadd.s32 $0xFFFFC000  }
0x6f: {  	[hbm4b:s16+s3] =	stream.linear.scatter [tilespmem:s22], [sflag:$0x2], $0x4000, $0x38;
	[tilespmem:$0x1D000] =	vst v63  }
0x70: {  	_ =	swait.ge [sflag:s21], $0x4000  }
0x71: {  	[sflag:s21] =	ssyncset.done $0x0  }
0x72: {  	[sflag:s21] =	ssyncadd.s32 $0xFFFFC000  }
0x73: {  	[tilespmem:s22], [sflag:$0x2] =	stream.linear.gather [spmem:s17], $0x4000, $0x38;
	[tilespmem:$0x1D000] =	vst v63  }
0x74: {  	_ =	swait.ge [sflag:s21], $0x4000  }
0x75: {  	[sflag:s21] =	ssyncset.done $0x0  }
0x76: {  	[sflag:s21] =	ssyncadd.s32 $0xFFFFC000  }
0x77: {  	[hbm4b:s18+s3] =	stream.linear.scatter [tilespmem:s22], [sflag:$0x2], $0x4000, $0x38;
	[tilespmem:$0x1D000] =	vst v63  }
0x78: {  	_ =	swait.ge [sflag:s21], $0x4000  }
0x79: {  	[sflag:s21] =	ssyncset.done $0x0  }
0x7a: {  	[sflag:s21] =	ssyncadd.s32 $0xFFFFC000  }
0x7b: {  	[tilespmem:s22], [sflag:$0x2] =	stream.linear.gather [spmem:s19], $0x4000, $0x38;
	[tilespmem:$0x1D000] =	vst v63  }
0x7c: {  	s25 =	sadd.s32 $0x1, s25;
	_ =	swait.ge [sflag:s21], $0x4000  }
0x7d: {  	p0 =	sne.s32 s25, s7;
	[sflag:s21] =	ssyncset.done $0x0  }
.Ltmp2:
0x7e: {  	[sflag:s21] =	ssyncadd.s32 $0xFFFFC000;
	(pc) =	sbr.rel @p0 .LBB2_1-.Ltmp2, $4  }
0x7f: {  	[hbm4b:s20+s3] =	stream.linear.scatter [tilespmem:s22], [sflag:$0x2], $0x4000, $0x38;
	[tilespmem:$0x1D000] =	vst v63  }
0x80: {  	_ =	swait.ge [sflag:s21], $0x4000  }
0x81: {  	[sflag:s21] =	ssyncset.done $0x0  }
0x82: {  	[sflag:s21] =	ssyncadd.s32 $0xFFFFC000  }
0x83: {  	_ =	sfence.sel $0x180000  }
0x84: {  	[bflag:$0x0] =	sbarrier.arrive $0xFFFF  }
0x85: {  	_ =	strace $0x9000004A  }
0x86: {  	s0 =	stileid.u32;
	[bflag:$0x2] =	sbarrier.arrive $0xFFFF  }
0x87: {  	p0 =	sne.s32 s0, $0x0;
	s0 =	rddreg [dreg:$0x2]  }
0x88: {  	s0 =	sadd.s32 @!p0 $0x100000, s0  }
0x89: {  	[sflag:s0] =	ssyncadd.tile.s32 @!p0 $0x1;
	_ =	shalt  }
.Lfunc_end2:
_tile_overlayer_lowered:
.L_overlay_start_2:
0x8a: {  	(tag) =	ssettag $0x2  }
0x8b: {  	s0 =	rddreg [dreg:$0x0];
	s2 =	stileid.u32  }
0x8c: {  	s1 =	rddreg [dreg:$0x1];
	p0 =	sne.s32 s2, $0x0  }
0x8d: {  	s3 =	rddreg [dreg:$0x2];
	[bflag:$0x3] =	sbarrier.arrive $0xFFFF;
	s2 =	simm.s32 @!p0 $0x1C02  }
0x8e: {  	[timem:s3], [sflag:s2] =	dma.local @!p0 [hbm:s0], s1  }
0x8f: {  	s0 =	simm.s32 @!p0 $0x2  }
0x90: {  	_ =	swait.ge @!p0 [sflag:s0], s1  }
0x91: {  	s1 =	ssub.s32 @!p0 $0x0, s1;
	[sflag:s0] =	ssyncset.done @!p0 $0x0  }
0x92: {  	[sflag:s0] =	ssyncadd.s32 @!p0 s1  }
0x93: {  	[bflag:$0x3] =	sbarrier.arrive $0xFFFF  }
0x94: {  	_ =	shalt  }

// kernel: kernel.15.cloned.1.call-start
scs
__scs_entry_jumppad:
0x0: {  	(pc) =	sbr.rel $0x88, $3  }
0x1: {  	(tag) =	ssettag $0x0;
	lr =	simm.s32 $0x1  }
0x2: {  	[smem:$0x3F99] =	sst lr;
	_ =	strace $0xD0000000  }
0x3: {  	_ = 	snop  }
0x4: {  	_ = 	snop  }
0x5: {  	_ = 	snop  }
0x6: {  	_ = 	snop  }
0x7: {  	_ = 	snop  }
__scs_overlays_trampoline_lowered:
0x8: {  	[smem:$0x3FA8] =	sst s0  }
0x9: {  	[smem:$0x3FA9] =	sst s1  }
0xa: {  	[smem:$0x3FAA] =	sst s2  }
0xb: {  	[smem:$0x3FAB] =	sst s3  }
0xc: {  	[smem:$0x3FAC] =	sst s4  }
0xd: {  	[smem:$0x3FAD] =	sst s5  }
0xe: {  	[smem:$0x3FAE] =	sst s6  }
0xf: {  	[smem:$0x3FAF] =	sst s7  }
0x10: {  	[smem:$0x3FB0] =	sst s8  }
0x11: {  	[smem:$0x3FB1] =	sst s9;
	s0 =	simm.s32 @!p0 $0x0  }
0x12: {  	s1 =	sld [smem:$0x3F97];
	s0 =	simm.s32 @p0 $0x1  }
0x13: {  	[smem:$0x3FB2] =	sst s0;
	s0 =	simm.s32 @!p1 $0x0  }
0x14: {  	s2 =	sld [smem:$0x3F96];
	s0 =	simm.s32 @p1 $0x1  }
0x15: {  	[smem:$0x3FB3] =	sst s0;
	s0 =	simm.s32 @!p2 $0x0  }
0x16: {  	s3 =	sld [smem:$0x3FDB];
	s0 =	simm.s32 @p2 $0x1  }
0x17: {  	s4 =	simm.s32 $0x1BF5;
	[smem:$0x3FB5] =	sst s0  }
0x18: {  	s0 =	sld [smem:$0x3F98];
	_ =	swait.ge [sflag:s4], $0x0  }
0x19: {  	s7 =	sld [smem:$0x3F99]  }
0x1a: {  	s8 =	sadd.s32 $0xFFFFE003, lr  }
0x1b: {  	s9 =	sadd.s32 $0xFFFFFEF7, lr;
	s5 =	simm.s32 $0xFFFFFFFF;
	p2 =	slt.u32 s8, $0xFFFFF086  }
0x1c: {  	p1 =	slt.u32 s9, $0xF7A;
	s5 =	simm.s32 @!p2 $0x0  }
0x1d: {  	s5 =	simm.s32 @p1 $0x1;
	p0 =	seq.s32 s7, s2  }
0x1e: {  	s7 =	smul.u32 @!p0 $0xF7A, s2;
	p2 =	seq.s32 @!p0 s5, $0x0  }
0x1f: {  	s9 =	smul.u32 $0xF7A, s1;
	s8 =	simm.s32 @!p0 $0x1BF5;
	p2 =	por !p2, p0  }
0x20: {  	[sflag:s8] =	ssyncset.s32 @!p0 $0xFFFFF086;
	s6 =	sadd.s32 @!p0 s3, s7;
	s7 =	simm.s32 @!p0 $0x108  }
0x21: {  	s3 =	sadd.s32 s3, s9;
	s6 =	sadd.s32 @!p0 $0x88, s6;
	s7 =	simm.s32 @p2 $0x1082  }
0x22: {  	[simem:s7], [sflag:s8] =	dma.local @!p0 [hbm:s6], $0xF7A  }
0x23: {  	s9 =	sor.u32 $0xD0000000, s2;
	s6 =	simm.s32 $0x108;
	_ =	swait.ge @!p0 [sflag:s8], $0x0  }
0x24: {  	s3 =	sadd.s32 $0x88, s3;
	s6 =	simm.s32 @!p1 $0x1082;
	[sflag:s4] =	ssyncset.s32 $0xFFFFF086  }
0x25: {  	[simem:s6], [sflag:s4] =	dma.local [hbm:s3], $0xF7A  }
0x26: {  	[smem:$0x3F99] =	sst s1;
	(tag) =	ssettag s2;
	_ =	strace s9  }
0x27: {  	s1 =	sld [smem:$0x3FA9]  }
0x28: {  	s2 =	sld [smem:$0x3FAA]  }
0x29: {  	s4 =	sld [smem:$0x3FAC]  }
0x2a: {  	p0 =	seq.s32 s5, $0x0;
	s5 =	sld [smem:$0x3FAD]  }
0x2b: {  	s6 =	sld [smem:$0x3FAE]  }
0x2c: {  	s7 =	sld [smem:$0x3FAF]  }
0x2d: {  	s3 =	simm.s32 $0x108;
	s8 =	sld [smem:$0x3FB0]  }
0x2e: {  	s3 =	simm.s32 @!p0 $0x1082;
	s9 =	sld [smem:$0x3FB1]  }
0x2f: {  	lr =	sadd.s32 s0, s3;
	s0 =	sld [smem:$0x3FA8]  }
0x30: {  	s3 =	sld [smem:$0x3FAB]  }
0x31: {  	[smem:$0x3FB4] =	sst s10  }
0x32: {  	s10 =	sld [smem:$0x3FB2];
	_ =	sdelay $0x3  }
0x33: {  	p0 =	seq.s32 s10, $0x1;
	s10 =	sld [smem:$0x3FB4];
	_ =	sdelay $0x3  }
0x34: {  	[smem:$0x3FB4] =	sst s10  }
0x35: {  	s10 =	sld [smem:$0x3FB3];
	_ =	sdelay $0x3  }
0x36: {  	p1 =	seq.s32 s10, $0x1;
	s10 =	sld [smem:$0x3FB4];
	_ =	sdelay $0x3  }
0x37: {  	[smem:$0x3FB4] =	sst s10  }
0x38: {  	s10 =	sld [smem:$0x3FB5]  }
0x39: {  	_ = 	snop;
	(pc) =	sbr.ind lr, $3  }
0x3a: {  	_ = 	snop  }
0x3b: {  	_ = 	snop  }
0x3c: {  	p2 =	seq.s32 s10, $0x1;
	s10 =	sld [smem:$0x3FB4]  }
0x3d: {  	_ =	shalt  }
0x3e: {  	_ =	shalt  }
0x3f: {  	_ =	shalt  }
0x40: {  	_ =	shalt  }
0x41: {  	_ =	shalt  }
0x42: {  	_ =	shalt  }
0x43: {  	_ =	shalt  }
0x44: {  	_ =	shalt  }
0x45: {  	_ =	shalt  }
0x46: {  	_ =	shalt  }
0x47: {  	_ =	shalt  }
0x48: {  	_ =	shalt  }
0x49: {  	_ =	shalt  }
0x4a: {  	_ =	shalt  }
0x4b: {  	_ =	shalt  }
0x4c: {  	_ =	shalt  }
0x4d: {  	_ =	shalt  }
0x4e: {  	_ =	shalt  }
0x4f: {  	_ =	shalt  }
0x50: {  	_ =	shalt  }
0x51: {  	_ =	shalt  }
0x52: {  	_ =	shalt  }
0x53: {  	_ =	shalt  }
0x54: {  	_ =	shalt  }
0x55: {  	_ =	shalt  }
0x56: {  	_ =	shalt  }
0x57: {  	_ =	shalt  }
0x58: {  	_ =	shalt  }
0x59: {  	_ =	shalt  }
0x5a: {  	_ =	shalt  }
0x5b: {  	_ =	shalt  }
0x5c: {  	_ =	shalt  }
0x5d: {  	_ =	shalt  }
0x5e: {  	_ =	shalt  }
0x5f: {  	_ =	shalt  }
0x60: {  	_ =	shalt  }
0x61: {  	_ =	shalt  }
0x62: {  	_ =	shalt  }
0x63: {  	_ =	shalt  }
0x64: {  	_ =	shalt  }
0x65: {  	_ =	shalt  }
0x66: {  	_ =	shalt  }
0x67: {  	_ =	shalt  }
0x68: {  	_ =	shalt  }
0x69: {  	_ =	shalt  }
0x6a: {  	_ =	shalt  }
0x6b: {  	_ =	shalt  }
0x6c: {  	_ =	shalt  }
0x6d: {  	_ =	shalt  }
0x6e: {  	_ =	shalt  }
0x6f: {  	_ =	shalt  }
0x70: {  	_ =	shalt  }
0x71: {  	_ =	shalt  }
0x72: {  	_ =	shalt  }
0x73: {  	_ =	shalt  }
0x74: {  	_ =	shalt  }
0x75: {  	_ =	shalt  }
0x76: {  	_ =	shalt  }
0x77: {  	_ =	shalt  }
0x78: {  	_ =	shalt  }
0x79: {  	_ =	shalt  }
0x7a: {  	_ =	shalt  }
0x7b: {  	_ =	shalt  }
0x7c: {  	_ =	shalt  }
0x7d: {  	_ =	shalt  }
0x7e: {  	_ =	shalt  }
0x7f: {  	_ =	shalt  }
0x80: {  	_ =	shalt  }
0x81: {  	_ =	shalt  }
0x82: {  	_ =	shalt  }
0x83: {  	_ =	shalt  }
0x84: {  	_ =	shalt  }
0x85: {  	_ =	shalt  }
0x86: {  	_ =	shalt  }
0x87: {  	_ =	shalt  }
.Lfunc_end0:
.L_simem_size_0:
called_computation.2_lowered:
.L_overlay_start_0:
0x88: {  	s2 =	sld [smem:$0x3FD9]  }
0x89: {  	s3 =	sld [smem:$0x3FFE];
	_ =	sdelay $0x1  }
0x8a: {  	s1 =	srdreg.scid  }
0x8b: {  	s0 =	sand.u32 $0x1, s1  }
0x8c: {  	s16 =	sshll.u32 s0, $0xA;
	s2 =	sadd.s32 s3, s2  }
0x8d: {  	s2 =	sadd.s32 s2, s16  }
0x8e: {  	[smem:$0x3FC0] =	sst s2  }
0x8f: {  	_ = 	snop  }
0x90: {  	(tm) =	ssettm $0x1  }
0x91: {  	s17 =	sld [smem:$0x3FFB];
	_ =	sdelay $0x3  }
0x92: {  	_ =	strace s17  }
0x93: {  	s2 =	sld [smem:$0x3FFC];
	_ =	sdelay $0x3  }
0x94: {  	_ =	strace s2  }
0x95: {  	s2 =	sld [smem:$0x3FFD];
	_ =	sdelay $0x3  }
0x96: {  	_ =	strace s2  }
0x97: {  	_ =	strace $0x8FFFFFFF  }
0x98: {  	s18 =	sld [smem:$0x3FDB];
	_ =	sdelay $0x1  }
0x99: {  	s19 =	simm.s32 $_scs_section_size  }
0x9a: {  	s4 =	simm.s32 $_size__tile_overlayer_lowered;
	s5 =	simm.s32 $_tile_overlayer_lowered  }
0x9b: {  	s22 =	simm.s32 $0x1BFF;
	s21 =	sshll.u32 s5, $0x1;
	s2 =	sadd.s32 s19, s18  }
0x9c: {  	s6 =	simm.s32 $0x0;
	s20 =	sshll.u32 s4, $0x1;
	s4 =	sadd.s32 s21, s2  }
0x9d: {  	[timem:s6], [sflag:s22] =	dma.local [hbm:s4], s20  }
0x9e: {  	_ =	swait.ge [sflag:s22], s20  }
0x9f: {  	s3 =	ssub.s32 $0x0, s20;
	[sflag:s22] =	ssyncset.done $0x0  }
0xa0: {  	[sflag:s22] =	ssyncadd.s32 s3;
	_ =	sdelay $0x1  }
0xa1: {  	s23 =	simm.s32 $0x1B8B  }
0xa2: {  	_ =	swait.ge [sflag:s23], $0x1  }
0xa3: {  	[sflag:s23] =	ssyncset.done $0x0  }
0xa4: {  	s25 =	simm.s32 $0x1B8E;
	s24 =	sld [smem:$0x3FFE];
	[sflag:s23] =	ssyncadd.s32 $0xFFFFFFFF  }
0xa5: {  	s26 =	simm.s32 $execute0_lowered;
	[smem:$0x3FD2] =	sst s25  }
0xa6: {  	s4 =	sshll.u32 s26, $0x1;
	_ =	strace $0x8000004C;
	[dreg:$0x1] =	wrdreg $0xFFFFFFFF  }
0xa7: {  	s28 =	simm.s32 $_size_execute0_lowered;
	s2 =	sadd.s32 s2, s4;
	[dreg:$0x0] =	wrdreg $0x0  }
0xa8: {  	s4 =	sshll.u32 s28, $0x1;
	[dreg:$0x2] =	wrdreg s2  }
0xa9: {  	[dreg:$0x3] =	wrdreg s4  }
0xaa: {  	[dreg:$0x4] =	wrdreg $0xC0  }
0xab: {  	_ =	task [dreg:s6], $0x5FFFF  }
0xac: {  	[dreg:$0x1] =	wrdreg $0xFFFFFFFF  }
0xad: {  	[dreg:$0x0] =	wrdreg $0x60  }
0xae: {  	[dreg:$0x2] =	wrdreg s24  }
0xaf: {  	[dreg:$0x3] =	wrdreg $0x90000  }
0xb0: {  	[dreg:$0x4] =	wrdreg $0x9  }
0xb1: {  	_ =	task.clear_ibuf [dreg:s6], $0x5FFFF;
	_ =	strace $0x9000004C  }
0xb2: {  	s29 =	simm.s32 $0x9;
	_ =	strace $0x8000004E  }
0xb3: {  	_ =	swait.ge [sflag:s29], $0x1  }
0xb4: {  	[sflag:s29] =	ssyncadd.s32 $0xFFFFFFFF  }
0xb5: {  	_ =	strace $0x9000004E  }
0xb6: {  	_ =	sfence  }
0xb7: {  	s30 =	sld [smem:$0x0];
	_ =	sdelay $0x2  }
0xb8: {  	s31 =	sshll.u32 s1, $0xD;
	s1 =	sshrl.u32 s1, $0x2  }
0xb9: {  	s3 =	sand.u32 $0x4000, s31;
	s1 =	sadd.s32 s1, s30  }
0xba: {  	s0 =	sor.u32 s3, s0;
	s1 =	sshll.u32 s1, $0x11  }
0xbb: {  	s0 =	sor.u32 s1, s0  }
0xbc: {  	s0 =	sadd.s32 $0x8F2B, s0  }
0xbd: {  	[sflag:s0] =	ssyncadd.remote.s32 $0x1  }
0xbe: {  	_ =	sfence.sel $0xFFFF  }
0xbf: {  	[dreg:$0x0] =	wrdreg $0xFFFFFFFF;
	(pc) =	sbr.abs _section_cstart, $3  }
0xc0: {  	[dreg:$0x1] =	wrdreg $0xFFFFFFFF  }
0xc1: {  	_ =	task.clear_ibuf [dreg:s6], $0x2FFFF;
	_ =	strace $0x9FFFFFFF  }
0xc2: {  	(tm) =	ssettm $0x7FFFFFFF  }
0xc3: {  	_ =	shalt  }
tec
execute0_lowered:
.L_overlay_start_1:
0x0: {  	(tag) =	ssettag $0x1  }
0x1: {  	s5 =	rddreg [dreg:$0x0]  }
0x2: {  	s2 =	rddreg [dreg:$0x1]  }
0x3: {  	s4 =	srdreg.scid;
	s0 =	stileid.u32;
	s3 =	simm.s32 $0x0  }
0x4: {  	s23 =	simm.s32 $0x40;
	s24 =	simm.s32 $0x1;
	s25 =	simm.s32 $0x0  }
0x5: {  	s6 =	sand.u32 $0x1, s4;
	s28 =	sshll.u32 s0, $0x1;
	s9 =	smul.u32 $0x50000, s0  }
0x6: {  	[smem:$0x7FF] =	sst s3;
	s20 =	sadd.s32 $0x48800, s5;
	s17 =	smul.u32 $0x14000, s0  }
0x7: {  	s4 =	sor.u32 s6, s28;
	_ =	strace $0x8000004D;
	s18 =	smul.u32 $0x140000, s6  }
0x8: {  	s8 =	ssub.s32 $0x2, s6;
	s7 =	smul.u32 $0xA00, s4;
	s4 =	sadd.s32 $0x20800, s5  }
0x9: {  	s29 =	sshrl.u32 s8, $0x1;
	s9 =	sshrl.u32 s9, $0x2;
	s13 =	sadd.s32 $0x4000, s17  }
0xa: {  	s15 =	sadd.s32 $0x8000, s17;
	s19 =	sadd.s32 $0xC000, s17;
	s22 =	sadd.s32 $0x10000, s17  }
0xb: {  	s8 =	ssub.s32 s8, s29;
	s6 =	sadd.s32 s9, s2;
	s12 =	sadd.s32 s18, s17  }
0xc: {  	s14 =	sadd.s32 s18, s13;
	s13 =	sadd.s32 s13, s2;
	s16 =	sadd.s32 s18, s15  }
0xd: {  	s15 =	sadd.s32 s15, s2;
	s21 =	sadd.s32 s18, s19;
	s17 =	sadd.s32 s19, s2  }
0xe: {  	s31 =	sadd.s32 s18, s22;
	s19 =	sadd.s32 s22, s2;
	s22 =	simm.s32 $0x5000  }
0xf: {  	s7 =	sadd.s32 s7, s5;
	s9 =	sadd.s32 $0x8000, s6;
	s10 =	sadd.s32 $0xC000, s6  }
0x10: {  	s11 =	sadd.s32 $0x10000, s6;
	s12 =	sshrl.u32 s12, $0x3;
	s14 =	sshrl.u32 s14, $0x3  }
0x11: {  	s16 =	sshrl.u32 s16, $0x3;
	s30 =	sshrl.u32 s21, $0x3;
	s21 =	sshrl.u32 s31, $0x3  }
0x12: {  	s5 =	sadd.s32 $0xC800, s7;
	s7 =	smax.u32 s8, $0x1;
	s8 =	sadd.s32 $0x4000, s6  }
0x13: {  	s12 =	sadd.s32 s20, s12;
	s14 =	sadd.s32 s20, s14;
	s16 =	sadd.s32 s20, s16  }
0x14: {  	v0 =	vimm.f32 $0.0e+00;
	s18 =	sadd.s32 s20, s30;
	s20 =	sadd.s32 s20, s21;
	s21 =	simm.s32 $0x2  }
.LBB2_1:
0x15: {  	[tilespmem:s3], [sflag:$0x2] =	stream.linear.gather [hbm4b:s5+s3], $0x5000, $0x38;
	[tilespmem:$0x1D000] =	vst v63  }
0x16: {  	_ =	swait.ge [sflag:s21], $0x5000  }
0x17: {  	[sflag:s21] =	ssyncset.done $0x0  }
0x18: {  	s26 =	simm.s32 $0x0;
	s28 =	simm.s32 $0x200;
	[sflag:s21] =	ssyncadd.s32 $0xFFFFB000  }
.LBB2_2:
0x19: {  	p0 =	sne.s32 s28, $0xFE00;
	[tilespmem:s26+$0x5070] =	vst v0  }
0x1a: {  	[tilespmem:s26+$0x5000] =	vst v0  }
0x1b: {  	[tilespmem:s26+$0x5010] =	vst v0  }
.Ltmp0:
0x1c: {  	[tilespmem:s26+$0x5020] =	vst v0;
	(pc) =	sbr.rel @p0 .LBB2_2-.Ltmp0, $4  }
0x1d: {  	[tilespmem:s26+$0x5030] =	vst v0  }
0x1e: {  	[tilespmem:s26+$0x5040] =	vst v0  }
0x1f: {  	[tilespmem:s26+$0x5050] =	vst v0  }
0x20: {  	[tilespmem:s26+$0x5060] =	vst v0;
	s26 =	sshra.s32 s28, $0x2;
	s28 =	sadd.s32 $0x200, s28  }
0x21: {  	[tilespmem:s26+$0x5070] =	vst v0  }
0x22: {  	[tilespmem:s26+$0x5000] =	vst v0  }
0x23: {  	[tilespmem:s26+$0x5010] =	vst v0  }
0x24: {  	[tilespmem:s26+$0x5020] =	vst v0  }
0x25: {  	[tilespmem:s26+$0x5030] =	vst v0  }
0x26: {  	[tilespmem:s26+$0x5040] =	vst v0  }
0x27: {  	[tilespmem:s26+$0x5050] =	vst v0  }
0x28: {  	[tilespmem:s26+$0x5060] =	vst v0  }
0x29: {  	[spmem:s6] =	stream.linear.scatter [tilespmem:s22], [sflag:$0x2], $0x4000, $0x38;
	[tilespmem:$0x1D000] =	vst v63  }
0x2a: {  	_ =	swait.ge [sflag:s21], $0x4000  }
0x2b: {  	[sflag:s21] =	ssyncset.done $0x0  }
0x2c: {  	[sflag:s21] =	ssyncadd.s32 $0xFFFFC000  }
0x2d: {  	[spmem:s8] =	stream.linear.scatter [tilespmem:s22], [sflag:$0x2], $0x4000, $0x38;
	[tilespmem:$0x1D000] =	vst v63  }
0x2e: {  	_ =	swait.ge [sflag:s21], $0x4000  }
0x2f: {  	[sflag:s21] =	ssyncset.done $0x0  }
0x30: {  	[sflag:s21] =	ssyncadd.s32 $0xFFFFC000  }
0x31: {  	[spmem:s9] =	stream.linear.scatter [tilespmem:s22], [sflag:$0x2], $0x4000, $0x38;
	[tilespmem:$0x1D000] =	vst v63  }
0x32: {  	_ =	swait.ge [sflag:s21], $0x4000  }
0x33: {  	[sflag:s21] =	ssyncset.done $0x0  }
0x34: {  	[sflag:s21] =	ssyncadd.s32 $0xFFFFC000  }
0x35: {  	[spmem:s10] =	stream.linear.scatter [tilespmem:s22], [sflag:$0x2], $0x4000, $0x38;
	[tilespmem:$0x1D000] =	vst v63  }
0x36: {  	_ =	swait.ge [sflag:s21], $0x4000  }
0x37: {  	[sflag:s21] =	ssyncset.done $0x0  }
0x38: {  	[sflag:s21] =	ssyncadd.s32 $0xFFFFC000  }
0x39: {  	[spmem:s11] =	stream.linear.scatter [tilespmem:s22], [sflag:$0x2], $0x4000, $0x38;
	[tilespmem:$0x1D000] =	vst v63  }
0x3a: {  	_ =	swait.ge [sflag:s21], $0x4000  }
0x3b: {  	s1 =	simm.s32 $0x0;
	[sflag:s21] =	ssyncset.done $0x0  }
0x3c: {  	s28 =	simm.s32 $0x0;
	s26 =	sand.u32 $0x2000, s1;
	[sflag:s21] =	ssyncadd.s32 $0xFFFFC000  }
0x3d: {  	s28 =	sand.u32 $0x3FC0, s28;
	s29 =	sor.u32 $0x5000, s26;
	[bflag:$0x0] =	sbarrier.arrive $0xFFFF  }
0x3e: {  	[tilespmem:s29], [sflag:$0x1] =	stream.indirect.gather [hbm4b:s4+s23], $0x80, s28, s23, $0xb8;
	[tilespmem:$0x1D000] =	vst v63  }
0x3f: {  	s26 =	sxor.u32 $0x7000, s26;
	s28 =	sadd.s32 $0x2800, s28  }
0x40: {  	[spmem:s2] =	stream.indirect.scatter.add.f32 [tilespmem:s26], [sflag:$0x2], $0x80, s28, s23, $0xb8;
	[tilespmem:$0x1D000] =	vst v63  }
0x41: {  	_ =	swait.ge [sflag:s21], $0x2000  }
0x42: {  	[sflag:s21] =	ssyncset.done $0x0  }
0x43: {  	s31 =	simm.s32 $0x40;
	s29 =	simm.s32 $0x2;
	[sflag:s21] =	ssyncadd.s32 $0xFFFFE000  }
0x44: {  	s26 =	sand.u32 $0x3FC0, s31;
	s28 =	simm.s32 $0x2000;
	_ =	swait.ge [sflag:s24], $0x2000  }
0x45: {  	s30 =	sand.u32 $0x2000, s28;
	s28 =	simm.s32 $0x80;
	[sflag:s24] =	ssyncset.done $0x0  }
.LBB2_4:
0x46: {  	s31 =	sand.u32 $0x3FC0, s28;
	s0 =	sor.u32 $0x5000, s30  }
0x47: {  	[sflag:s24] =	ssyncadd.s32 $0xFFFFE000;
	s1 =	smov.u32 s29;
	s30 =	sxor.u32 $0x7000, s30  }
0x48: {  	[tilespmem:s0], [sflag:$0x1] =	stream.indirect.gather [hbm4b:s4+s23], $0x80, s26, s23, $0xb8;
	[tilespmem:$0x1D000] =	vst v63  }
0x49: {  	p0 =	sne.s32 s29, $0x9F;
	s0 =	sadd.s32 $0x1, s29;
	s26 =	sadd.s32 $0x2800, s26  }
0x4a: {  	[spmem:s2] =	stream.indirect.scatter.add.f32 [tilespmem:s30], [sflag:$0x2], $0x80, s26, s23, $0xb8;
	[tilespmem:$0x1D000] =	vst v63  }
.Ltmp1:
0x4b: {  	_ =	swait.ge [sflag:s21], $0x2000;
	(pc) =	sbr.rel @p0 .LBB2_4-.Ltmp1, $4  }
0x4c: {  	s26 =	smov.u32 s31;
	[sflag:s21] =	ssyncset.done $0x0  }
0x4d: {  	[sflag:s21] =	ssyncadd.s32 $0xFFFFE000  }
0x4e: {  	s28 =	sadd.s32 $0x40, s28;
	s1 =	sshll.u32 s1, $0xD;
	_ =	swait.ge [sflag:s24], $0x2000  }
0x4f: {  	s29 =	smov.u32 s0;
	s30 =	sand.u32 $0x2000, s1;
	[sflag:s24] =	ssyncset.done $0x0  }
0x50: {  	s0 =	sor.u32 $0x5000, s30;
	[sflag:s24] =	ssyncadd.s32 $0xFFFFE000  }
0x51: {  	[tilespmem:s0], [sflag:$0x1] =	stream.indirect.gather [hbm4b:s4+s23], $0x80, s26, s23, $0xb8;
	[tilespmem:$0x1D000] =	vst v63  }
0x52: {  	s31 =	sxor.u32 $0x7000, s30;
	s1 =	sadd.s32 $0x2800, s26  }
0x53: {  	[spmem:s2] =	stream.indirect.scatter.add.f32 [tilespmem:s31], [sflag:$0x2], $0x80, s1, s23, $0xb8;
	[tilespmem:$0x1D000] =	vst v63  }
0x54: {  	_ =	swait.ge [sflag:s21], $0x2000  }
0x55: {  	[sflag:s21] =	ssyncset.done $0x0  }
0x56: {  	[sflag:s21] =	ssyncadd.s32 $0xFFFFE000  }
0x57: {  	_ =	swait.ge [sflag:s24], $0x2000  }
0x58: {  	[sflag:s24] =	ssyncset.done $0x0  }
0x59: {  	[sflag:s24] =	ssyncadd.s32 $0xFFFFE000  }
0x5a: {  	[bflag:$0x0] =	sbarrier.arrive $0xFFFF  }
0x5b: {  	[tilespmem:s22], [sflag:$0x2] =	stream.linear.gather [spmem:s6], $0x4000, $0x38;
	[tilespmem:$0x1D000] =	vst v63  }
0x5c: {  	_ =	swait.ge [sflag:s21], $0x4000  }
0x5d: {  	[sflag:s21] =	ssyncset.done $0x0  }
0x5e: {  	[sflag:s21] =	ssyncadd.s32 $0xFFFFC000  }
0x5f: {  	[hbm4b:s12+s3] =	stream.linear.scatter [tilespmem:s22], [sflag:$0x2], $0x4000, $0x38;
	[tilespmem:$0x1D000] =	vst v63  }
0x60: {  	_ =	swait.ge [sflag:s21], $0x4000  }
0x61: {  	[sflag:s21] =	ssyncset.done $0x0  }
0x62: {  	[sflag:s21] =	ssyncadd.s32 $0xFFFFC000  }
0x63: {  	[tilespmem:s22], [sflag:$0x2] =	stream.linear.gather [spmem:s13], $0x4000, $0x38;
	[tilespmem:$0x1D000] =	vst v63  }
0x64: {  	_ =	swait.ge [sflag:s21], $0x4000  }
0x65: {  	[sflag:s21] =	ssyncset.done $0x0  }
0x66: {  	[sflag:s21] =	ssyncadd.s32 $0xFFFFC000  }
0x67: {  	[hbm4b:s14+s3] =	stream.linear.scatter [tilespmem:s22], [sflag:$0x2], $0x4000, $0x38;
	[tilespmem:$0x1D000] =	vst v63  }
0x68: {  	_ =	swait.ge [sflag:s21], $0x4000  }
0x69: {  	[sflag:s21] =	ssyncset.done $0x0  }
0x6a: {  	[sflag:s21] =	ssyncadd.s32 $0xFFFFC000  }
0x6b: {  	[tilespmem:s22], [sflag:$0x2] =	stream.linear.gather [spmem:s15], $0x4000, $0x38;
	[tilespmem:$0x1D000] =	vst v63  }
0x6c: {  	_ =	swait.ge [sflag:s21], $0x4000  }
0x6d: {  	[sflag:s21] =	ssyncset.done $0x0  }
0x6e: {  	[sflag:s21] =	ssyncadd.s32 $0xFFFFC000  }
0x6f: {  	[hbm4b:s16+s3] =	stream.linear.scatter [tilespmem:s22], [sflag:$0x2], $0x4000, $0x38;
	[tilespmem:$0x1D000] =	vst v63  }
0x70: {  	_ =	swait.ge [sflag:s21], $0x4000  }
0x71: {  	[sflag:s21] =	ssyncset.done $0x0  }
0x72: {  	[sflag:s21] =	ssyncadd.s32 $0xFFFFC000  }
0x73: {  	[tilespmem:s22], [sflag:$0x2] =	stream.linear.gather [spmem:s17], $0x4000, $0x38;
	[tilespmem:$0x1D000] =	vst v63  }
0x74: {  	_ =	swait.ge [sflag:s21], $0x4000  }
0x75: {  	[sflag:s21] =	ssyncset.done $0x0  }
0x76: {  	[sflag:s21] =	ssyncadd.s32 $0xFFFFC000  }
0x77: {  	[hbm4b:s18+s3] =	stream.linear.scatter [tilespmem:s22], [sflag:$0x2], $0x4000, $0x38;
	[tilespmem:$0x1D000] =	vst v63  }
0x78: {  	_ =	swait.ge [sflag:s21], $0x4000  }
0x79: {  	[sflag:s21] =	ssyncset.done $0x0  }
0x7a: {  	[sflag:s21] =	ssyncadd.s32 $0xFFFFC000  }
0x7b: {  	[tilespmem:s22], [sflag:$0x2] =	stream.linear.gather [spmem:s19], $0x4000, $0x38;
	[tilespmem:$0x1D000] =	vst v63  }
0x7c: {  	s25 =	sadd.s32 $0x1, s25;
	_ =	swait.ge [sflag:s21], $0x4000  }
0x7d: {  	p0 =	sne.s32 s25, s7;
	[sflag:s21] =	ssyncset.done $0x0  }
.Ltmp2:
0x7e: {  	[sflag:s21] =	ssyncadd.s32 $0xFFFFC000;
	(pc) =	sbr.rel @p0 .LBB2_1-.Ltmp2, $4  }
0x7f: {  	[hbm4b:s20+s3] =	stream.linear.scatter [tilespmem:s22], [sflag:$0x2], $0x4000, $0x38;
	[tilespmem:$0x1D000] =	vst v63  }
0x80: {  	_ =	swait.ge [sflag:s21], $0x4000  }
0x81: {  	[sflag:s21] =	ssyncset.done $0x0  }
0x82: {  	[sflag:s21] =	ssyncadd.s32 $0xFFFFC000  }
0x83: {  	_ =	sfence.sel $0x180000  }
0x84: {  	[bflag:$0x0] =	sbarrier.arrive $0xFFFF  }
0x85: {  	_ =	strace $0x9000004D  }
0x86: {  	s0 =	stileid.u32;
	[bflag:$0x2] =	sbarrier.arrive $0xFFFF  }
0x87: {  	p0 =	sne.s32 s0, $0x0;
	s0 =	rddreg [dreg:$0x2]  }
0x88: {  	s0 =	sadd.s32 @!p0 $0x100000, s0  }
0x89: {  	[sflag:s0] =	ssyncadd.tile.s32 @!p0 $0x1;
	_ =	shalt  }
.Lfunc_end2:
_tile_overlayer_lowered:
.L_overlay_start_2:
0x8a: {  	(tag) =	ssettag $0x2  }
0x8b: {  	s0 =	rddreg [dreg:$0x0];
	s2 =	stileid.u32  }
0x8c: {  	s1 =	rddreg [dreg:$0x1];
	p0 =	sne.s32 s2, $0x0  }
0x8d: {  	s3 =	rddreg [dreg:$0x2];
	[bflag:$0x3] =	sbarrier.arrive $0xFFFF;
	s2 =	simm.s32 @!p0 $0x1C02  }
0x8e: {  	[timem:s3], [sflag:s2] =	dma.local @!p0 [hbm:s0], s1  }
0x8f: {  	s0 =	simm.s32 @!p0 $0x2  }
0x90: {  	_ =	swait.ge @!p0 [sflag:s0], s1  }
0x91: {  	s1 =	ssub.s32 @!p0 $0x0, s1;
	[sflag:s0] =	ssyncset.done @!p0 $0x0  }
0x92: {  	[sflag:s0] =	ssyncadd.s32 @!p0 s1  }
0x93: {  	[bflag:$0x3] =	sbarrier.arrive $0xFFFF  }
0x94: {  	_ =	shalt  }

// kernel: kernel.9.cloned.1.call-start
scs
__scs_entry_jumppad:
0x0: {  	(pc) =	sbr.rel $0x88, $3  }
0x1: {  	(tag) =	ssettag $0x0;
	lr =	simm.s32 $0x1  }
0x2: {  	[smem:$0x3F99] =	sst lr;
	_ =	strace $0xD0000000  }
0x3: {  	_ = 	snop  }
0x4: {  	_ = 	snop  }
0x5: {  	_ = 	snop  }
0x6: {  	_ = 	snop  }
0x7: {  	_ = 	snop  }
__scs_overlays_trampoline_lowered:
0x8: {  	[smem:$0x3FA8] =	sst s0  }
0x9: {  	[smem:$0x3FA9] =	sst s1  }
0xa: {  	[smem:$0x3FAA] =	sst s2  }
0xb: {  	[smem:$0x3FAB] =	sst s3  }
0xc: {  	[smem:$0x3FAC] =	sst s4  }
0xd: {  	[smem:$0x3FAD] =	sst s5  }
0xe: {  	[smem:$0x3FAE] =	sst s6  }
0xf: {  	[smem:$0x3FAF] =	sst s7  }
0x10: {  	[smem:$0x3FB0] =	sst s8  }
0x11: {  	[smem:$0x3FB1] =	sst s9;
	s0 =	simm.s32 @!p0 $0x0  }
0x12: {  	s1 =	sld [smem:$0x3F97];
	s0 =	simm.s32 @p0 $0x1  }
0x13: {  	[smem:$0x3FB2] =	sst s0;
	s0 =	simm.s32 @!p1 $0x0  }
0x14: {  	s2 =	sld [smem:$0x3F96];
	s0 =	simm.s32 @p1 $0x1  }
0x15: {  	[smem:$0x3FB3] =	sst s0;
	s0 =	simm.s32 @!p2 $0x0  }
0x16: {  	s3 =	sld [smem:$0x3FDB];
	s0 =	simm.s32 @p2 $0x1  }
0x17: {  	s4 =	simm.s32 $0x1BF5;
	[smem:$0x3FB5] =	sst s0  }
0x18: {  	s0 =	sld [smem:$0x3F98];
	_ =	swait.ge [sflag:s4], $0x0  }
0x19: {  	s7 =	sld [smem:$0x3F99]  }
0x1a: {  	s8 =	sadd.s32 $0xFFFFE003, lr  }
0x1b: {  	s9 =	sadd.s32 $0xFFFFFEF7, lr;
	s5 =	simm.s32 $0xFFFFFFFF;
	p2 =	slt.u32 s8, $0xFFFFF086  }
0x1c: {  	p1 =	slt.u32 s9, $0xF7A;
	s5 =	simm.s32 @!p2 $0x0  }
0x1d: {  	s5 =	simm.s32 @p1 $0x1;
	p0 =	seq.s32 s7, s2  }
0x1e: {  	s7 =	smul.u32 @!p0 $0xF7A, s2;
	p2 =	seq.s32 @!p0 s5, $0x0  }
0x1f: {  	s9 =	smul.u32 $0xF7A, s1;
	s8 =	simm.s32 @!p0 $0x1BF5;
	p2 =	por !p2, p0  }
0x20: {  	[sflag:s8] =	ssyncset.s32 @!p0 $0xFFFFF086;
	s6 =	sadd.s32 @!p0 s3, s7;
	s7 =	simm.s32 @!p0 $0x108  }
0x21: {  	s3 =	sadd.s32 s3, s9;
	s6 =	sadd.s32 @!p0 $0x88, s6;
	s7 =	simm.s32 @p2 $0x1082  }
0x22: {  	[simem:s7], [sflag:s8] =	dma.local @!p0 [hbm:s6], $0xF7A  }
0x23: {  	s9 =	sor.u32 $0xD0000000, s2;
	s6 =	simm.s32 $0x108;
	_ =	swait.ge @!p0 [sflag:s8], $0x0  }
0x24: {  	s3 =	sadd.s32 $0x88, s3;
	s6 =	simm.s32 @!p1 $0x1082;
	[sflag:s4] =	ssyncset.s32 $0xFFFFF086  }
0x25: {  	[simem:s6], [sflag:s4] =	dma.local [hbm:s3], $0xF7A  }
0x26: {  	[smem:$0x3F99] =	sst s1;
	(tag) =	ssettag s2;
	_ =	strace s9  }
0x27: {  	s1 =	sld [smem:$0x3FA9]  }
0x28: {  	s2 =	sld [smem:$0x3FAA]  }
0x29: {  	s4 =	sld [smem:$0x3FAC]  }
0x2a: {  	p0 =	seq.s32 s5, $0x0;
	s5 =	sld [smem:$0x3FAD]  }
0x2b: {  	s6 =	sld [smem:$0x3FAE]  }
0x2c: {  	s7 =	sld [smem:$0x3FAF]  }
0x2d: {  	s3 =	simm.s32 $0x108;
	s8 =	sld [smem:$0x3FB0]  }
0x2e: {  	s3 =	simm.s32 @!p0 $0x1082;
	s9 =	sld [smem:$0x3FB1]  }
0x2f: {  	lr =	sadd.s32 s0, s3;
	s0 =	sld [smem:$0x3FA8]  }
0x30: {  	s3 =	sld [smem:$0x3FAB]  }
0x31: {  	[smem:$0x3FB4] =	sst s10  }
0x32: {  	s10 =	sld [smem:$0x3FB2];
	_ =	sdelay $0x3  }
0x33: {  	p0 =	seq.s32 s10, $0x1;
	s10 =	sld [smem:$0x3FB4];
	_ =	sdelay $0x3  }
0x34: {  	[smem:$0x3FB4] =	sst s10  }
0x35: {  	s10 =	sld [smem:$0x3FB3];
	_ =	sdelay $0x3  }
0x36: {  	p1 =	seq.s32 s10, $0x1;
	s10 =	sld [smem:$0x3FB4];
	_ =	sdelay $0x3  }
0x37: {  	[smem:$0x3FB4] =	sst s10  }
0x38: {  	s10 =	sld [smem:$0x3FB5]  }
0x39: {  	_ = 	snop;
	(pc) =	sbr.ind lr, $3  }
0x3a: {  	_ = 	snop  }
0x3b: {  	_ = 	snop  }
0x3c: {  	p2 =	seq.s32 s10, $0x1;
	s10 =	sld [smem:$0x3FB4]  }
0x3d: {  	_ =	shalt  }
0x3e: {  	_ =	shalt  }
0x3f: {  	_ =	shalt  }
0x40: {  	_ =	shalt  }
0x41: {  	_ =	shalt  }
0x42: {  	_ =	shalt  }
0x43: {  	_ =	shalt  }
0x44: {  	_ =	shalt  }
0x45: {  	_ =	shalt  }
0x46: {  	_ =	shalt  }
0x47: {  	_ =	shalt  }
0x48: {  	_ =	shalt  }
0x49: {  	_ =	shalt  }
0x4a: {  	_ =	shalt  }
0x4b: {  	_ =	shalt  }
0x4c: {  	_ =	shalt  }
0x4d: {  	_ =	shalt  }
0x4e: {  	_ =	shalt  }
0x4f: {  	_ =	shalt  }
0x50: {  	_ =	shalt  }
0x51: {  	_ =	shalt  }
0x52: {  	_ =	shalt  }
0x53: {  	_ =	shalt  }
0x54: {  	_ =	shalt  }
0x55: {  	_ =	shalt  }
0x56: {  	_ =	shalt  }
0x57: {  	_ =	shalt  }
0x58: {  	_ =	shalt  }
0x59: {  	_ =	shalt  }
0x5a: {  	_ =	shalt  }
0x5b: {  	_ =	shalt  }
0x5c: {  	_ =	shalt  }
0x5d: {  	_ =	shalt  }
0x5e: {  	_ =	shalt  }
0x5f: {  	_ =	shalt  }
0x60: {  	_ =	shalt  }
0x61: {  	_ =	shalt  }
0x62: {  	_ =	shalt  }
0x63: {  	_ =	shalt  }
0x64: {  	_ =	shalt  }
0x65: {  	_ =	shalt  }
0x66: {  	_ =	shalt  }
0x67: {  	_ =	shalt  }
0x68: {  	_ =	shalt  }
0x69: {  	_ =	shalt  }
0x6a: {  	_ =	shalt  }
0x6b: {  	_ =	shalt  }
0x6c: {  	_ =	shalt  }
0x6d: {  	_ =	shalt  }
0x6e: {  	_ =	shalt  }
0x6f: {  	_ =	shalt  }
0x70: {  	_ =	shalt  }
0x71: {  	_ =	shalt  }
0x72: {  	_ =	shalt  }
0x73: {  	_ =	shalt  }
0x74: {  	_ =	shalt  }
0x75: {  	_ =	shalt  }
0x76: {  	_ =	shalt  }
0x77: {  	_ =	shalt  }
0x78: {  	_ =	shalt  }
0x79: {  	_ =	shalt  }
0x7a: {  	_ =	shalt  }
0x7b: {  	_ =	shalt  }
0x7c: {  	_ =	shalt  }
0x7d: {  	_ =	shalt  }
0x7e: {  	_ =	shalt  }
0x7f: {  	_ =	shalt  }
0x80: {  	_ =	shalt  }
0x81: {  	_ =	shalt  }
0x82: {  	_ =	shalt  }
0x83: {  	_ =	shalt  }
0x84: {  	_ =	shalt  }
0x85: {  	_ =	shalt  }
0x86: {  	_ =	shalt  }
0x87: {  	_ =	shalt  }
.Lfunc_end0:
.L_simem_size_0:
called_computation_lowered:
.L_overlay_start_0:
0x88: {  	s2 =	sld [smem:$0x3FD9]  }
0x89: {  	s3 =	sld [smem:$0x3FFE];
	_ =	sdelay $0x1  }
0x8a: {  	s1 =	srdreg.scid  }
0x8b: {  	s0 =	sand.u32 $0x1, s1  }
0x8c: {  	s17 =	sshll.u32 s0, $0xA;
	s2 =	sadd.s32 s3, s2  }
0x8d: {  	s2 =	sadd.s32 s2, s17  }
0x8e: {  	[smem:$0x3FC0] =	sst s2  }
0x8f: {  	_ = 	snop  }
0x90: {  	s2 =	sld [smem:$0x3FD0];
	(tm) =	ssettm $0x1  }
0x91: {  	s18 =	sld [smem:$0x3FFB];
	_ =	sdelay $0x3  }
0x92: {  	_ =	strace s18  }
0x93: {  	s3 =	sld [smem:$0x3FFC];
	_ =	sdelay $0x3  }
0x94: {  	_ =	strace s3  }
0x95: {  	s3 =	sld [smem:$0x3FFD];
	_ =	sdelay $0x3  }
0x96: {  	_ =	strace s3  }
0x97: {  	_ =	strace $0x8FFFFFFF  }
0x98: {  	s19 =	sld [smem:$0x3FDB];
	_ =	sdelay $0x1  }
0x99: {  	s4 =	simm.s32 $_scs_section_size  }
0x9a: {  	s5 =	simm.s32 $_size__tile_overlayer_lowered;
	s6 =	simm.s32 $_tile_overlayer_lowered  }
0x9b: {  	s22 =	simm.s32 $0x1BFF;
	s21 =	sshll.u32 s6, $0x1;
	s3 =	sadd.s32 s4, s19  }
0x9c: {  	s7 =	simm.s32 $0x0;
	s20 =	sshll.u32 s5, $0x1;
	s5 =	sadd.s32 s21, s3  }
0x9d: {  	[timem:s7], [sflag:s22] =	dma.local [hbm:s5], s20  }
0x9e: {  	_ =	swait.ge [sflag:s22], s20  }
0x9f: {  	s4 =	ssub.s32 $0x0, s20;
	[sflag:s22] =	ssyncset.done $0x0  }
0xa0: {  	[sflag:s22] =	ssyncadd.s32 s4;
	_ =	sdelay $0x1  }
0xa1: {  	s23 =	simm.s32 $0x1B8B  }
0xa2: {  	_ =	swait.ge [sflag:s23], $0x1  }
0xa3: {  	[sflag:s23] =	ssyncset.done $0x0  }
0xa4: {  	s25 =	simm.s32 $0x1B8E;
	s24 =	sld [smem:$0x3FFE];
	[sflag:s23] =	ssyncadd.s32 $0xFFFFFFFF  }
0xa5: {  	s26 =	simm.s32 $execute0_lowered;
	[smem:$0x3FD2] =	sst s25  }
0xa6: {  	s5 =	sshll.u32 s26, $0x1;
	_ =	strace $0x80000046;
	[dreg:$0x1] =	wrdreg $0xFFFFFFFF  }
0xa7: {  	s28 =	simm.s32 $_size_execute0_lowered;
	s3 =	sadd.s32 s3, s5;
	[dreg:$0x0] =	wrdreg $0x0  }
0xa8: {  	s5 =	sshll.u32 s28, $0x1;
	[dreg:$0x2] =	wrdreg s3  }
0xa9: {  	[dreg:$0x3] =	wrdreg s5  }
0xaa: {  	[dreg:$0x4] =	wrdreg $0xC0  }
0xab: {  	_ =	task [dreg:s7], $0x5FFFF  }
0xac: {  	[dreg:$0x1] =	wrdreg $0xFFFFFFFF  }
0xad: {  	[dreg:$0x0] =	wrdreg $0x60  }
0xae: {  	[dreg:$0x2] =	wrdreg s24  }
0xaf: {  	[dreg:$0x3] =	wrdreg s2  }
0xb0: {  	[dreg:$0x4] =	wrdreg $0x9  }
0xb1: {  	_ =	task.clear_ibuf [dreg:s7], $0x5FFFF;
	_ =	strace $0x90000046  }
0xb2: {  	s29 =	simm.s32 $0x9;
	_ =	strace $0x80000048  }
0xb3: {  	_ =	swait.ge [sflag:s29], $0x1  }
0xb4: {  	[sflag:s29] =	ssyncadd.s32 $0xFFFFFFFF  }
0xb5: {  	_ =	strace $0x90000048  }
0xb6: {  	_ =	sfence  }
0xb7: {  	s30 =	sld [smem:$0x0];
	_ =	sdelay $0x2  }
0xb8: {  	s31 =	sshll.u32 s1, $0xD;
	s1 =	sshrl.u32 s1, $0x2  }
0xb9: {  	s3 =	sand.u32 $0x4000, s31;
	s1 =	sadd.s32 s1, s30  }
0xba: {  	s0 =	sor.u32 s3, s0;
	s1 =	sshll.u32 s1, $0x11  }
0xbb: {  	s0 =	sor.u32 s1, s0  }
0xbc: {  	s0 =	sadd.s32 $0x8F2B, s0  }
0xbd: {  	[sflag:s0] =	ssyncadd.remote.s32 $0x1  }
0xbe: {  	_ =	sfence.sel $0xFFFF  }
0xbf: {  	[dreg:$0x0] =	wrdreg $0xFFFFFFFF;
	(pc) =	sbr.abs _section_cstart, $3  }
0xc0: {  	[dreg:$0x1] =	wrdreg $0xFFFFFFFF  }
0xc1: {  	_ =	task.clear_ibuf [dreg:s7], $0x2FFFF;
	_ =	strace $0x9FFFFFFF  }
0xc2: {  	(tm) =	ssettm $0x7FFFFFFF  }
0xc3: {  	_ =	shalt  }
tec
execute0_lowered:
.L_overlay_start_1:
0x0: {  	(tag) =	ssettag $0x1  }
0x1: {  	s3 =	rddreg [dreg:$0x0]  }
0x2: {  	s4 =	rddreg [dreg:$0x1]  }
0x3: {  	s0 =	rddreg [dreg:$0x2];
	s2 =	simm.s32 $0x0;
	s5 =	srdreg.scid  }
0x4: {  	s1 =	stileid.u32;
	s10 =	simm.s32 $0x0;
	s5 =	sand.u32 $0x1, s5  }
0x5: {  	s6 =	sshrl.u32 s1, $0x2;
	s7 =	sshll.u32 s1, $0x8;
	[smem:$0x7FF] =	sst s2  }
0x6: {  	s8 =	sshll.u32 s5, $0x7;
	s7 =	sand.u32 $0x300, s7;
	s9 =	smul.u32 $0x13C00, s6  }
0x7: {  	s6 =	smul.u32 $0x14000, s6;
	s5 =	ssub.s32 $0x2, s5;
	s7 =	sor.u32 s8, s7  }
0x8: {  	_ =	strace $0x80000047;
	s31 =	sshrl.u32 s5, $0x1;
	s8 =	sor.u32 s9, s7  }
0x9: {  	s6 =	sor.u32 s6, s7;
	s5 =	ssub.s32 s5, s31;
	s7 =	simm.s32 $0x400  }
0xa: {  	s9 =	simm.s32 $0x2780;
	s8 =	sshrl.u32 s8, $0x3;
	s6 =	sshrl.u32 s6, $0x3  }
0xb: {  	s5 =	smax.u32 s5, $0x1;
	s3 =	sadd.s32 s8, s3;
	s4 =	sadd.s32 s4, s6  }
0xc: {  	v0 =	vimm.f32 $0.0e+00;
	v1 =	vimm.f32 $1.000000000e+00;
	s6 =	simm.s32 $0x80;
	s8 =	simm.s32 $0x1;
	s3 =	sadd.s32 $0x2A00, s3  }
.LBB2_1:
0xd: {  	[tilespmem:s2], [sflag:$0x1] =	stream.strided.gather [hbm4b:s3+s6], $0x2780, s7, s6, $0x38;
	[tilespmem:$0x4F80] =	vst v63  }
0xe: {  	_ =	swait.ge [sflag:s8], $0x2780  }
0xf: {  	[sflag:s8] =	ssyncset.done $0x0  }
0x10: {  	s11 =	simm.s32 $0x0;
	[sflag:s8] =	ssyncadd.s32 $0xFFFFD880  }
.LBB2_2:
0x11: {  	p0 =	sne.s32 s11, $0x9FC0  }
.Ltmp0:
0x12: {  	_ = 	snop;
	(pc) =	sbr.rel @p0 .LBB2_2-.Ltmp0, $3  }
0x13: {  	_ =	sdelay $0x1  }
0x14: {  	s12 =	sshra.s32 s11, $0x2  }
0x15: {  	s11 =	sadd.s32 $0x40, s11;
	[tilespmem:s12+$0x2780] =	vst v0  }
0x16: {  	s12 =	simm.s32 $0x0;
	s11 =	simm.s32 $0x40  }
.LBB2_4:
0x17: {  	p0 =	sne.s32 s11, $0x9C00;
	v2 =	vld [tilespmem:s12+$0x0];
	_ =	sdelay $0x3  }
.Ltmp1:
0x18: {  	(pc) =	sbr.rel @p0 .LBB2_4-.Ltmp1, $2  }
0x19: {  	_ =	sdelay $0x2  }
0x1a: {  	s12 =	sshra.s32 s11, $0x2;
	s11 =	sadd.s32 $0x40, s11;
	[tilespmem:v2+s9+$0x0] =	vst.idx.add.f32.msk $0xffff, v1  }
0x1b: {  	v2 =	vld [tilespmem:s12+$0x0];
	_ =	sdelay $0x5  }
0x1c: {  	s10 =	sadd.s32 $0x1, s10  }
0x1d: {  	p0 =	sne.s32 s10, s5  }
.Ltmp2:
0x1e: {  	[tilespmem:v2+s9+$0x0] =	vst.idx.add.f32.msk $0xffff, v1;
	(pc) =	sbr.rel @p0 .LBB2_1-.Ltmp2, $4  }
0x1f: {  	[hbm4b:s4+s6] =	stream.strided.scatter [tilespmem:s9], [sflag:$0x1], $0x2800, s7, s6, $0x38;
	[tilespmem:$0x4F80] =	vst v63  }
0x20: {  	_ =	swait.ge [sflag:s8], $0x2800  }
0x21: {  	[sflag:s8] =	ssyncset.done $0x0  }
0x22: {  	[sflag:s8] =	ssyncadd.s32 $0xFFFFD800  }
0x23: {  	_ =	sfence.sel $0x180000  }
0x24: {  	[bflag:$0x0] =	sbarrier.arrive $0xFFFF  }
0x25: {  	p0 =	sne.s32 s1, $0x0;
	_ =	strace $0x90000047  }
0x26: {  	s0 =	sadd.s32 @!p0 $0x100000, s0;
	[bflag:$0x2] =	sbarrier.arrive $0xFFFF  }
0x27: {  	[sflag:s0] =	ssyncadd.tile.s32 @!p0 $0x1;
	_ =	shalt  }
.Lfunc_end2:
_tile_overlayer_lowered:
.L_overlay_start_2:
0x28: {  	(tag) =	ssettag $0x2  }
0x29: {  	s0 =	rddreg [dreg:$0x0];
	s2 =	stileid.u32  }
0x2a: {  	s1 =	rddreg [dreg:$0x1];
	p0 =	sne.s32 s2, $0x0  }
0x2b: {  	s3 =	rddreg [dreg:$0x2];
	[bflag:$0x3] =	sbarrier.arrive $0xFFFF;
	s2 =	simm.s32 @!p0 $0x1C01  }
0x2c: {  	[timem:s3], [sflag:s2] =	dma.local @!p0 [hbm:s0], s1  }
0x2d: {  	s0 =	simm.s32 @!p0 $0x1  }
0x2e: {  	_ =	swait.ge @!p0 [sflag:s0], s1  }
0x2f: {  	s1 =	ssub.s32 @!p0 $0x0, s1;
	[sflag:s0] =	ssyncset.done @!p0 $0x0  }
0x30: {  	[sflag:s0] =	ssyncadd.s32 @!p0 s1  }
0x31: {  	[bflag:$0x3] =	sbarrier.arrive $0xFFFF  }
0x32: {  	_ =	shalt  }

</sc_bundles>
